<compile_context>
chip_gen: v7x
topology: tpu7x:2x2x1
jax: 0.10.2.dev20260603
libtpu: 0.0.44.dev20260713+nightly
codegen_flags: <defaults>
</compile_context>

<pallas_src>
import functools

import jax
import jax.numpy as jnp
from jax import lax
from jax.experimental import pallas as pl
from jax.experimental.pallas import tpu as pltpu
from jax.experimental.pallas import tpu_sc as plsc

N = 10000
E = 320000
D = 128

NC = 2
NS = 16
NW = NC * NS
EPW = E // NW
CH = 80
NCHUNK = EPW // CH
NPAD = 10240
RCH = NPAD // (NS * CH)

_mesh = plsc.VectorSubcoreMesh(
    core_axis_name="c", subcore_axis_name="s", num_cores=NC, num_subcores=NS
)



@functools.partial(
    pl.kernel,
    out_type=jax.ShapeDtypeStruct((NC, NPAD, 16), jnp.float32),
    mesh=_mesh,
    scratch_types=[
        pltpu.VMEM((CH,), jnp.int32),
        pltpu.VMEM((CH, 16), jnp.float32),
        pltpu.VMEM((CH, 16), jnp.float32),
        pltpu.VMEM_SHARED((NPAD, 16), jnp.float32),
    ],
)
def _deg_kernel(dst_hbm, out_hbm, didx_v, ones_v, zeros_v, hist_sh):
    c = lax.axis_index("c")
    s = lax.axis_index("s")
    wid = s * NC + c

    @pl.loop(0, CH)
    def _fill(r):
        ones_v[r] = jnp.ones((16,), jnp.float32)
        zeros_v[r] = jnp.zeros((16,), jnp.float32)

    @pl.loop(0, RCH)
    def _zero(k):
        pltpu.sync_copy(zeros_v, hist_sh.at[pl.ds((s * RCH + k) * CH, CH)])

    plsc.subcore_barrier()

    base = wid * EPW

    @pl.loop(0, NCHUNK)
    def _accum(i):
        pltpu.sync_copy(dst_hbm.at[pl.ds(base + i * CH, CH)], didx_v)
        pltpu.sync_copy(ones_v, hist_sh.at[didx_v], add=True)

    plsc.subcore_barrier()

    @pl.loop(0, RCH)
    def _writeback(k):
        r0 = (s * RCH + k) * CH
        pltpu.sync_copy(hist_sh.at[pl.ds(r0, CH)], ones_v)
        pltpu.sync_copy(ones_v, out_hbm.at[c, pl.ds(r0, CH)])



_RB = 2000


def _lin_body(x_ref, m_ref, h0_ref, h1_ref, w_ref, g_ref, s_ref):
    deg = 1.0 + h0_ref[...] + h1_ref[...]
    sv = m_ref[...] * lax.rsqrt(deg)
    s_ref[...] = sv
    g_ref[...] = jnp.dot(
        x_ref[...] * sv, w_ref[...], preferred_element_type=jnp.float32
    )


_linear = pl.pallas_call(
    _lin_body,
    grid=(N // _RB,),
    in_specs=[
        pl.BlockSpec((_RB, D), lambda i: (i, 0)),
        pl.BlockSpec((_RB, 1), lambda i: (i, 0)),
        pl.BlockSpec((_RB, 1), lambda i: (i, 0)),
        pl.BlockSpec((_RB, 1), lambda i: (i, 0)),
        pl.BlockSpec((D, D), lambda i: (0, 0)),
    ],
    out_specs=[
        pl.BlockSpec((_RB, D), lambda i: (i, 0)),
        pl.BlockSpec((_RB, 1), lambda i: (i, 0)),
    ],
    out_shape=[
        jax.ShapeDtypeStruct((N, D), jnp.float32),
        jax.ShapeDtypeStruct((N, 1), jnp.float32),
    ],
)



@functools.partial(
    pl.kernel,
    out_type=jax.ShapeDtypeStruct((NC, NPAD, D), jnp.float32),
    mesh=_mesh,
    scratch_types=[
        pltpu.VMEM((CH,), jnp.int32),
        pltpu.VMEM((CH,), jnp.int32),
        pltpu.VMEM((CH, D), jnp.float32),
        pltpu.VMEM_SHARED((NPAD, D), jnp.float32),
        pltpu.SemaphoreType.DMA,
    ],
)
def _edge_kernel(src_hbm, dst_hbm, g_hbm, out_hbm, sidx_v, didx_v, rows_v, acc_sh, sem):
    c = lax.axis_index("c")
    s = lax.axis_index("s")
    wid = s * NC + c

    @pl.loop(0, CH)
    def _zero_rows(r):
        for j in range(D // 16):
            rows_v[r, pl.ds(j * 16, 16)] = jnp.zeros((16,), jnp.float32)

    @pl.loop(0, RCH)
    def _zero_acc(k):
        pltpu.sync_copy(rows_v, acc_sh.at[pl.ds((s * RCH + k) * CH, CH)])

    plsc.subcore_barrier()

    base = wid * EPW

    @pl.loop(0, NCHUNK)
    def _accum(i):
        off = base + i * CH
        pltpu.sync_copy(src_hbm.at[pl.ds(off, CH)], sidx_v)
        pltpu.sync_copy(dst_hbm.at[pl.ds(off, CH)], didx_v)
        pltpu.async_copy(g_hbm.at[sidx_v], rows_v, sem).wait()
        pltpu.sync_copy(rows_v, acc_sh.at[didx_v], add=True)

    plsc.subcore_barrier()

    @pl.loop(0, RCH)
    def _writeback(k):
        r0 = (s * RCH + k) * CH
        pltpu.sync_copy(acc_sh.at[pl.ds(r0, CH)], rows_v)
        pltpu.sync_copy(rows_v, out_hbm.at[c, pl.ds(r0, CH)])



def _fin_body(p0_ref, p1_ref, g_ref, s_ref, m_ref, b_ref, o_ref):
    acc = p0_ref[...] + p1_ref[...] + g_ref[...]
    o_ref[...] = s_ref[...] * acc + m_ref[...] * b_ref[...]


_final = pl.pallas_call(
    _fin_body,
    grid=(N // _RB,),
    in_specs=[
        pl.BlockSpec((_RB, D), lambda i: (i, 0)),
        pl.BlockSpec((_RB, D), lambda i: (i, 0)),
        pl.BlockSpec((_RB, D), lambda i: (i, 0)),
        pl.BlockSpec((_RB, 1), lambda i: (i, 0)),
        pl.BlockSpec((_RB, 1), lambda i: (i, 0)),
        pl.BlockSpec((1, D), lambda i: (0, 0)),
    ],
    out_specs=pl.BlockSpec((_RB, D), lambda i: (i, 0)),
    out_shape=jax.ShapeDtypeStruct((N, D), jnp.float32),
)


def kernel(x, edge_index, mask, W, b):
    src = edge_index[0]
    dst = edge_index[1]
    mask_f = mask.astype(jnp.float32).reshape(N, 1)
    hist = _deg_kernel(dst)
    h0 = hist[0, :N, 0:1]
    h1 = hist[1, :N, 0:1]
    g, s = _linear(x, mask_f, h0, h1, W)
    p = _edge_kernel(src, dst, g)
    return _final(p[0, :N], p[1, :N], g, s, mask_f, b.reshape(1, D))

# --- scband reference (transcript-rebuilt; emitter-appended) ---
"""Pipeline reference for scband-masked-gcn-65816078844665 (READ-ONLY COPY).

The authoritative reference and input builder live on the scoring server;
editing this copy changes nothing except your own understanding.
"""

import jax, jax.numpy as jnp
import numpy as np

N = 10000
E = 320000
D_IN = 128
D_OUT = 128

def setup_inputs(seed: int = 0) -> dict:
    key = jax.random.key(seed)
    k1, k2, k3, k4 = jax.random.split(key, 4)
    x = jax.random.normal(k1, (N, D_IN), dtype=jnp.float32)
    edge_index = jax.random.randint(k2, (2, E), 0, N, dtype=jnp.int32)
    mask = jax.random.randint(k3, (N,), 0, 2, dtype=jnp.int32)
    W = jax.random.normal(k4, (D_IN, D_OUT), dtype=jnp.float32) * (1.0 / np.sqrt(D_IN))
    b = jnp.zeros((D_OUT,), dtype=jnp.float32)
    return {"x": x, "edge_index": edge_index, "mask": mask, "W": W, "b": b}

def reference(x, edge_index, mask, W, b):
    # MaskedGCN forward: mask -> GCNConv (symmetric-normalized, self-loops) -> mask
    xm = x * mask[:, None].astype(x.dtype)
    src = edge_index[0]
    dst = edge_index[1]
    # add self loops (PyG GCNConv default add_self_loops=True)
    loop = jnp.arange(N, dtype=edge_index.dtype)
    src = jnp.concatenate([src, loop])
    dst = jnp.concatenate([dst, loop])
    ones = jnp.ones(src.shape[0], dtype=x.dtype)
    deg = jnp.zeros((N,), dtype=x.dtype).at[dst].add(ones)
    dinv = jnp.where(deg > 0, jax.lax.rsqrt(jnp.maximum(deg, 1e-12)), 0.0)
    norm = dinv[src] * dinv[dst]
    # linear transform then propagate (gather from src, scatter-add to dst)
    h = xm @ W
    msg = h[src] * norm[:, None]
    out = jax.ops.segment_sum(msg, dst, num_segments=N)
    out = out + b
    out = out * mask[:, None].astype(out.dtype)
    return out

if __name__ == "__main__":
    import jax
    _d = setup_inputs()
    print(jax.jit(kernel)(*tuple(_d.values())))

</pallas_src>

<mosaic_0001>
#map = affine_map<(d0, d1) -> (0)>
#map1 = affine_map<(d0, d1) -> (0, 0)>
#map2 = affine_map<(d0, d1) -> (0, 0, 0)>
module attributes {stable_mosaic.version = 14 : i64} {
  func.func @_edge_kernel(%arg0: i32, %arg1: i32, %arg2: memref<320000xi32, #tpu.memory_space<hbm>>, %arg3: memref<320000xi32, #tpu.memory_space<hbm>>, %arg4: memref<10000x128xf32, #tpu.memory_space<hbm>>, %arg5: memref<2x10240x128xf32, #tpu.memory_space<hbm>>, %arg6: memref<80xi32, #tpu.memory_space<vmem>>, %arg7: memref<80xi32, #tpu.memory_space<vmem>>, %arg8: memref<80x128xf32, #tpu.memory_space<vmem>>, %arg9: memref<10240x128xf32, #tpu.memory_space<vmem_shared>>, %arg10: memref<!tpu.dma_semaphore, #tpu.memory_space<semaphore_mem>>) attributes {dimension_semantics = [#tpu.dimension_semantics<core_parallel>, #tpu.dimension_semantics<subcore_parallel>], iteration_bounds = array<i64: 2, 16>, scalar_prefetch = 0 : i64, scratch_operands = 5 : i64, tpu.core_type = #tpu.core_type<sc_vector_subcore>, window_params = [{transform_indices = #map}, {transform_indices = #map}, {transform_indices = #map1}, {transform_indices = #map2}]} {
    %mul3A = arith.constant 2 : i32
    %mul3A_0 = arith.muli %arg1, %mul3A : i32
    %add3A = arith.addi %mul3A_0, %arg0 : i32
    %scan3A = arith.constant 0 : i32
    %scan3A_1 = arith.constant 80 : i32
    %scan3A_2 = arith.addi %scan3A, %scan3A_1 : i32
    %scan3A_3 = arith.constant 1 : i32
    scf.for %scan3A_23 = %scan3A to %scan3A_2 step %scan3A_3  : i32 {
      %mul3A_24 = arith.constant 1 : i32
      %mul3A_25 = arith.muli %scan3A_23, %mul3A_24 : i32
      %add3A_26 = arith.constant 0 : i32
      %add3A_27 = arith.addi %add3A_26, %mul3A_25 : i32
      %broadcast_in_dim3A = arith.constant 0.000000e+00 : f32
      %broadcast_in_dim3A_28 = vector.broadcast %broadcast_in_dim3A : f32 to vector<16xf32>
      %swap3A = arith.index_cast %add3A_27 : i32 to index
      %swap3A_29 = arith.constant 0 : index
      %swap3A_30 = tpu.vector_load %arg8[%swap3A, %swap3A_29] {strides = array<i32>} : memref<80x128xf32, #tpu.memory_space<vmem>>, vector<1x16xf32>,
      %swap3A_31 = vector.shape_cast %swap3A_30 : vector<1x16xf32> to vector<16xf32>
      %swap3A_32 = vector.shape_cast %broadcast_in_dim3A_28 : vector<16xf32> to vector<1x16xf32>
      tpu.vector_store %arg8[%swap3A, %swap3A_29], %swap3A_32 {strides = array<i32>} : memref<80x128xf32, #tpu.memory_space<vmem>>, vector<1x16xf32>,
      %broadcast_in_dim3A_33 = arith.constant 0.000000e+00 : f32
      %broadcast_in_dim3A_34 = vector.broadcast %broadcast_in_dim3A_33 : f32 to vector<16xf32>
      %swap3A_35 = arith.index_cast %add3A_27 : i32 to index
      %swap3A_36 = arith.constant 16 : index
      %swap3A_37 = tpu.vector_load %arg8[%swap3A_35, %swap3A_36] {strides = array<i32>} : memref<80x128xf32, #tpu.memory_space<vmem>>, vector<1x16xf32>,
      %swap3A_38 = vector.shape_cast %swap3A_37 : vector<1x16xf32> to vector<16xf32>
      %swap3A_39 = vector.shape_cast %broadcast_in_dim3A_34 : vector<16xf32> to vector<1x16xf32>
      tpu.vector_store %arg8[%swap3A_35, %swap3A_36], %swap3A_39 {strides = array<i32>} : memref<80x128xf32, #tpu.memory_space<vmem>>, vector<1x16xf32>,
      %broadcast_in_dim3A_40 = arith.constant 0.000000e+00 : f32
      %broadcast_in_dim3A_41 = vector.broadcast %broadcast_in_dim3A_40 : f32 to vector<16xf32>
      %swap3A_42 = arith.index_cast %add3A_27 : i32 to index
      %swap3A_43 = arith.constant 32 : index
      %swap3A_44 = tpu.vector_load %arg8[%swap3A_42, %swap3A_43] {strides = array<i32>} : memref<80x128xf32, #tpu.memory_space<vmem>>, vector<1x16xf32>,
      %swap3A_45 = vector.shape_cast %swap3A_44 : vector<1x16xf32> to vector<16xf32>
      %swap3A_46 = vector.shape_cast %broadcast_in_dim3A_41 : vector<16xf32> to vector<1x16xf32>
      tpu.vector_store %arg8[%swap3A_42, %swap3A_43], %swap3A_46 {strides = array<i32>} : memref<80x128xf32, #tpu.memory_space<vmem>>, vector<1x16xf32>,
      %broadcast_in_dim3A_47 = arith.constant 0.000000e+00 : f32
      %broadcast_in_dim3A_48 = vector.broadcast %broadcast_in_dim3A_47 : f32 to vector<16xf32>
      %swap3A_49 = arith.index_cast %add3A_27 : i32 to index
      %swap3A_50 = arith.constant 48 : index
      %swap3A_51 = tpu.vector_load %arg8[%swap3A_49, %swap3A_50] {strides = array<i32>} : memref<80x128xf32, #tpu.memory_space<vmem>>, vector<1x16xf32>,
      %swap3A_52 = vector.shape_cast %swap3A_51 : vector<1x16xf32> to vector<16xf32>
      %swap3A_53 = vector.shape_cast %broadcast_in_dim3A_48 : vector<16xf32> to vector<1x16xf32>
      tpu.vector_store %arg8[%swap3A_49, %swap3A_50], %swap3A_53 {strides = array<i32>} : memref<80x128xf32, #tpu.memory_space<vmem>>, vector<1x16xf32>,
      %broadcast_in_dim3A_54 = arith.constant 0.000000e+00 : f32
      %broadcast_in_dim3A_55 = vector.broadcast %broadcast_in_dim3A_54 : f32 to vector<16xf32>
      %swap3A_56 = arith.index_cast %add3A_27 : i32 to index
      %swap3A_57 = arith.constant 64 : index
      %swap3A_58 = tpu.vector_load %arg8[%swap3A_56, %swap3A_57] {strides = array<i32>} : memref<80x128xf32, #tpu.memory_space<vmem>>, vector<1x16xf32>,
      %swap3A_59 = vector.shape_cast %swap3A_58 : vector<1x16xf32> to vector<16xf32>
      %swap3A_60 = vector.shape_cast %broadcast_in_dim3A_55 : vector<16xf32> to vector<1x16xf32>
      tpu.vector_store %arg8[%swap3A_56, %swap3A_57], %swap3A_60 {strides = array<i32>} : memref<80x128xf32, #tpu.memory_space<vmem>>, vector<1x16xf32>,
      %broadcast_in_dim3A_61 = arith.constant 0.000000e+00 : f32
      %broadcast_in_dim3A_62 = vector.broadcast %broadcast_in_dim3A_61 : f32 to vector<16xf32>
      %swap3A_63 = arith.index_cast %add3A_27 : i32 to index
      %swap3A_64 = arith.constant 80 : index
      %swap3A_65 = tpu.vector_load %arg8[%swap3A_63, %swap3A_64] {strides = array<i32>} : memref<80x128xf32, #tpu.memory_space<vmem>>, vector<1x16xf32>,
      %swap3A_66 = vector.shape_cast %swap3A_65 : vector<1x16xf32> to vector<16xf32>
      %swap3A_67 = vector.shape_cast %broadcast_in_dim3A_62 : vector<16xf32> to vector<1x16xf32>
      tpu.vector_store %arg8[%swap3A_63, %swap3A_64], %swap3A_67 {strides = array<i32>} : memref<80x128xf32, #tpu.memory_space<vmem>>, vector<1x16xf32>,
      %broadcast_in_dim3A_68 = arith.constant 0.000000e+00 : f32
      %broadcast_in_dim3A_69 = vector.broadcast %broadcast_in_dim3A_68 : f32 to vector<16xf32>
      %swap3A_70 = arith.index_cast %add3A_27 : i32 to index
      %swap3A_71 = arith.constant 96 : index
      %swap3A_72 = tpu.vector_load %arg8[%swap3A_70, %swap3A_71] {strides = array<i32>} : memref<80x128xf32, #tpu.memory_space<vmem>>, vector<1x16xf32>,
      %swap3A_73 = vector.shape_cast %swap3A_72 : vector<1x16xf32> to vector<16xf32>
      %swap3A_74 = vector.shape_cast %broadcast_in_dim3A_69 : vector<16xf32> to vector<1x16xf32>
      tpu.vector_store %arg8[%swap3A_70, %swap3A_71], %swap3A_74 {strides = array<i32>} : memref<80x128xf32, #tpu.memory_space<vmem>>, vector<1x16xf32>,
      %broadcast_in_dim3A_75 = arith.constant 0.000000e+00 : f32
      %broadcast_in_dim3A_76 = vector.broadcast %broadcast_in_dim3A_75 : f32 to vector<16xf32>
      %swap3A_77 = arith.index_cast %add3A_27 : i32 to index
      %swap3A_78 = arith.constant 112 : index
      %swap3A_79 = tpu.vector_load %arg8[%swap3A_77, %swap3A_78] {strides = array<i32>} : memref<80x128xf32, #tpu.memory_space<vmem>>, vector<1x16xf32>,
      %swap3A_80 = vector.shape_cast %swap3A_79 : vector<1x16xf32> to vector<16xf32>
      %swap3A_81 = vector.shape_cast %broadcast_in_dim3A_76 : vector<16xf32> to vector<1x16xf32>
      tpu.vector_store %arg8[%swap3A_77, %swap3A_78], %swap3A_81 {strides = array<i32>} : memref<80x128xf32, #tpu.memory_space<vmem>>, vector<1x16xf32>,
    }
    %scan3A_4 = arith.constant 80 : i32
    %scan3A_5 = arith.constant 0 : i32
    %scan3A_6 = arith.constant 8 : i32
    %scan3A_7 = arith.addi %scan3A_5, %scan3A_6 : i32
    %scan3A_8 = arith.constant 1 : i32
    scf.for %scan3A_23 = %scan3A_5 to %scan3A_7 step %scan3A_8  : i32 {
      %mul3A_24 = arith.constant 1 : i32
      %mul3A_25 = arith.muli %scan3A_23, %mul3A_24 : i32
      %add3A_26 = arith.constant 0 : i32
      %add3A_27 = arith.addi %add3A_26, %mul3A_25 : i32
      %mul3A_28 = arith.constant 8 : i32
      %mul3A_29 = arith.muli %arg1, %mul3A_28 : i32
      %add3A_30 = arith.addi %mul3A_29, %add3A_27 : i32
      %mul3A_31 = arith.constant 80 : i32
      %mul3A_32 = arith.muli %add3A_30, %mul3A_31 : i32
      "tpu.region"() ({
        %run_scoped3A = tpu.sem_alloc : memref<!tpu.dma_semaphore, #tpu.memory_space<semaphore_mem>>
        %dma_start3A = arith.constant 0 : i32
        %dma_start3A_33 = tpu.memref_slice %arg9[%mul3A_32, %dma_start3A] : memref<10240x128xf32, #tpu.memory_space<vmem_shared>> -> memref<80x128xf32, #tpu.memory_space<vmem_shared>>
        %dma_start3A_34 = arith.constant 0 : i32
        %dma_start3A_35 = tpu.memref_slice %arg9[%mul3A_32, %dma_start3A_34] : memref<10240x128xf32, #tpu.memory_space<vmem_shared>> -> memref<80x128xf32, #tpu.memory_space<vmem_shared>>
        tpu.enqueue_dma source(%arg8 : memref<80x128xf32, #tpu.memory_space<vmem>>) target(%dma_start3A_35 : memref<80x128xf32, #tpu.memory_space<vmem_shared>>) target_semaphore(%run_scoped3A : memref<!tpu.dma_semaphore, #tpu.memory_space<semaphore_mem>>)
        %dma_wait3A = arith.constant 0 : i32
        %dma_wait3A_36 = tpu.memref_slice %arg9[%mul3A_32, %dma_wait3A] : memref<10240x128xf32, #tpu.memory_space<vmem_shared>> -> memref<80x128xf32, #tpu.memory_space<vmem_shared>>
        %dma_wait3A_37 = arith.constant 0 : i32
        %dma_wait3A_38 = tpu.memref_slice %arg9[%mul3A_32, %dma_wait3A_37] : memref<10240x128xf32, #tpu.memory_space<vmem_shared>> -> memref<80x128xf32, #tpu.memory_space<vmem_shared>>
        tpu.wait_dma2 semaphore(%run_scoped3A : memref<!tpu.dma_semaphore, #tpu.memory_space<semaphore_mem>>) src(%arg8 : memref<80x128xf32, #tpu.memory_space<vmem>>) dst(%dma_wait3A_38 : memref<80x128xf32, #tpu.memory_space<vmem_shared>>)
        tpu.yield
      }) : () -> ()
    }
    %scan3A_9 = arith.constant 8 : i32
    %barrier3A = arith.constant 0 : index
    tpu.barrier barrier_id(%barrier3A)
    %mul3A_10 = arith.constant 10000 : i32
    %mul3A_11 = arith.muli %add3A, %mul3A_10 : i32
    %scan3A_12 = arith.constant 0 : i32
    %scan3A_13 = arith.constant 125 : i32
    %scan3A_14 = arith.addi %scan3A_12, %scan3A_13 : i32
    %scan3A_15 = arith.constant 1 : i32
    scf.for %scan3A_23 = %scan3A_12 to %scan3A_14 step %scan3A_15  : i32 {
      %mul3A_24 = arith.constant 1 : i32
      %mul3A_25 = arith.muli %scan3A_23, %mul3A_24 : i32
      %add3A_26 = arith.constant 0 : i32
      %add3A_27 = arith.addi %add3A_26, %mul3A_25 : i32
      %mul3A_28 = arith.constant 80 : i32
      %mul3A_29 = arith.muli %add3A_27, %mul3A_28 : i32
      %add3A_30 = arith.addi %mul3A_11, %mul3A_29 : i32
      "tpu.region"() ({
        %run_scoped3A = tpu.sem_alloc : memref<!tpu.dma_semaphore, #tpu.memory_space<semaphore_mem>>
        %dma_start3A_35 = tpu.memref_slice %arg2[%add3A_30] : memref<320000xi32, #tpu.memory_space<hbm>> -> memref<80xi32, #tpu.memory_space<hbm>>
        %dma_start3A_36 = tpu.memref_slice %arg2[%add3A_30] : memref<320000xi32, #tpu.memory_space<hbm>> -> memref<80xi32, #tpu.memory_space<hbm>>
        tpu.enqueue_dma source(%dma_start3A_36 : memref<80xi32, #tpu.memory_space<hbm>>) target(%arg6 : memref<80xi32, #tpu.memory_space<vmem>>) target_semaphore(%run_scoped3A : memref<!tpu.dma_semaphore, #tpu.memory_space<semaphore_mem>>)
        %dma_wait3A_37 = tpu.memref_slice %arg2[%add3A_30] : memref<320000xi32, #tpu.memory_space<hbm>> -> memref<80xi32, #tpu.memory_space<hbm>>
        %dma_wait3A_38 = tpu.memref_slice %arg2[%add3A_30] : memref<320000xi32, #tpu.memory_space<hbm>> -> memref<80xi32, #tpu.memory_space<hbm>>
        tpu.wait_dma2 semaphore(%run_scoped3A : memref<!tpu.dma_semaphore, #tpu.memory_space<semaphore_mem>>) src(%dma_wait3A_38 : memref<80xi32, #tpu.memory_space<hbm>>) dst(%arg6 : memref<80xi32, #tpu.memory_space<vmem>>)
        tpu.yield
      }) : () -> ()
      "tpu.region"() ({
        %run_scoped3A = tpu.sem_alloc : memref<!tpu.dma_semaphore, #tpu.memory_space<semaphore_mem>>
        %dma_start3A_35 = tpu.memref_slice %arg3[%add3A_30] : memref<320000xi32, #tpu.memory_space<hbm>> -> memref<80xi32, #tpu.memory_space<hbm>>
        %dma_start3A_36 = tpu.memref_slice %arg3[%add3A_30] : memref<320000xi32, #tpu.memory_space<hbm>> -> memref<80xi32, #tpu.memory_space<hbm>>
        tpu.enqueue_dma source(%dma_start3A_36 : memref<80xi32, #tpu.memory_space<hbm>>) target(%arg7 : memref<80xi32, #tpu.memory_space<vmem>>) target_semaphore(%run_scoped3A : memref<!tpu.dma_semaphore, #tpu.memory_space<semaphore_mem>>)
        %dma_wait3A_37 = tpu.memref_slice %arg3[%add3A_30] : memref<320000xi32, #tpu.memory_space<hbm>> -> memref<80xi32, #tpu.memory_space<hbm>>
        %dma_wait3A_38 = tpu.memref_slice %arg3[%add3A_30] : memref<320000xi32, #tpu.memory_space<hbm>> -> memref<80xi32, #tpu.memory_space<hbm>>
        tpu.wait_dma2 semaphore(%run_scoped3A : memref<!tpu.dma_semaphore, #tpu.memory_space<semaphore_mem>>) src(%dma_wait3A_38 : memref<80xi32, #tpu.memory_space<hbm>>) dst(%arg7 : memref<80xi32, #tpu.memory_space<vmem>>)
        tpu.yield
      }) : () -> ()
      %dma_start3A = arith.constant 0 : i32
      %dma_start3A_31 = arith.constant 0 : i32
      %dma_start3A_32 = tpu.memref_slice %arg4[%dma_start3A, %dma_start3A_31] : memref<10000x128xf32, #tpu.memory_space<hbm>> -> memref<10000x128xf32, #tpu.memory_space<hbm>>
      tpu.enqueue_indirect_dma source(%dma_start3A_32 : memref<10000x128xf32, #tpu.memory_space<hbm>>) target(%arg8 : memref<80x128xf32, #tpu.memory_space<vmem>>) offsets(%arg6 : memref<80xi32, #tpu.memory_space<vmem>>) semaphore(%arg10 : memref<!tpu.dma_semaphore, #tpu.memory_space<semaphore_mem>>)
      %dma_wait3A = arith.constant 0 : i32
      %dma_wait3A_33 = arith.constant 0 : i32
      %dma_wait3A_34 = tpu.memref_slice %arg4[%dma_wait3A, %dma_wait3A_33] : memref<10000x128xf32, #tpu.memory_space<hbm>> -> memref<10000x128xf32, #tpu.memory_space<hbm>>
      tpu.wait_indirect_dma semaphore(%arg10 : memref<!tpu.dma_semaphore, #tpu.memory_space<semaphore_mem>>) src(%dma_wait3A_34 : memref<10000x128xf32, #tpu.memory_space<hbm>>) dst(%arg8 : memref<80x128xf32, #tpu.memory_space<vmem>>)
      "tpu.region"() ({
        %run_scoped3A = tpu.sem_alloc : memref<!tpu.dma_semaphore, #tpu.memory_space<semaphore_mem>>
        %dma_start3A_35 = arith.constant 0 : i32
        %dma_start3A_36 = arith.constant 0 : i32
        %dma_start3A_37 = tpu.memref_slice %arg9[%dma_start3A_35, %dma_start3A_36] : memref<10240x128xf32, #tpu.memory_space<vmem_shared>> -> memref<10240x128xf32, #tpu.memory_space<vmem_shared>>
        tpu.enqueue_indirect_dma source(%arg8 : memref<80x128xf32, #tpu.memory_space<vmem>>) target(%dma_start3A_37 : memref<10240x128xf32, #tpu.memory_space<vmem_shared>>) offsets(%arg7 : memref<80xi32, #tpu.memory_space<vmem>>) semaphore(%run_scoped3A : memref<!tpu.dma_semaphore, #tpu.memory_space<semaphore_mem>>) {add = true}
        %dma_wait3A_38 = arith.constant 0 : i32
        %dma_wait3A_39 = arith.constant 0 : i32
        %dma_wait3A_40 = tpu.memref_slice %arg9[%dma_wait3A_38, %dma_wait3A_39] : memref<10240x128xf32, #tpu.memory_space<vmem_shared>> -> memref<10240x128xf32, #tpu.memory_space<vmem_shared>>
        tpu.wait_indirect_dma semaphore(%run_scoped3A : memref<!tpu.dma_semaphore, #tpu.memory_space<semaphore_mem>>) src(%arg8 : memref<80x128xf32, #tpu.memory_space<vmem>>) dst(%dma_wait3A_40 : memref<10240x128xf32, #tpu.memory_space<vmem_shared>>)
        tpu.yield
      }) : () -> ()
    }
    %scan3A_16 = arith.constant 125 : i32
    %barrier3A_17 = arith.constant 0 : index
    tpu.barrier barrier_id(%barrier3A_17)
    %scan3A_18 = arith.constant 0 : i32
    %scan3A_19 = arith.constant 8 : i32
    %scan3A_20 = arith.addi %scan3A_18, %scan3A_19 : i32
    %scan3A_21 = arith.constant 1 : i32
    scf.for %scan3A_23 = %scan3A_18 to %scan3A_20 step %scan3A_21  : i32 {
      %mul3A_24 = arith.constant 1 : i32
      %mul3A_25 = arith.muli %scan3A_23, %mul3A_24 : i32
      %add3A_26 = arith.constant 0 : i32
      %add3A_27 = arith.addi %add3A_26, %mul3A_25 : i32
      %mul3A_28 = arith.constant 8 : i32
      %mul3A_29 = arith.muli %arg1, %mul3A_28 : i32
      %add3A_30 = arith.addi %mul3A_29, %add3A_27 : i32
      %mul3A_31 = arith.constant 80 : i32
      %mul3A_32 = arith.muli %add3A_30, %mul3A_31 : i32
      "tpu.region"() ({
        %run_scoped3A = tpu.sem_alloc : memref<!tpu.dma_semaphore, #tpu.memory_space<semaphore_mem>>
        %dma_start3A = arith.constant 0 : i32
        %dma_start3A_33 = tpu.memref_slice %arg9[%mul3A_32, %dma_start3A] : memref<10240x128xf32, #tpu.memory_space<vmem_shared>> -> memref<80x128xf32, #tpu.memory_space<vmem_shared>>
        %dma_start3A_34 = arith.constant 0 : i32
        %dma_start3A_35 = tpu.memref_slice %arg9[%mul3A_32, %dma_start3A_34] : memref<10240x128xf32, #tpu.memory_space<vmem_shared>> -> memref<80x128xf32, #tpu.memory_space<vmem_shared>>
        tpu.enqueue_dma source(%dma_start3A_35 : memref<80x128xf32, #tpu.memory_space<vmem_shared>>) target(%arg8 : memref<80x128xf32, #tpu.memory_space<vmem>>) target_semaphore(%run_scoped3A : memref<!tpu.dma_semaphore, #tpu.memory_space<semaphore_mem>>)
        %dma_wait3A = arith.constant 0 : i32
        %dma_wait3A_36 = tpu.memref_slice %arg9[%mul3A_32, %dma_wait3A] : memref<10240x128xf32, #tpu.memory_space<vmem_shared>> -> memref<80x128xf32, #tpu.memory_space<vmem_shared>>
        %dma_wait3A_37 = arith.constant 0 : i32
        %dma_wait3A_38 = tpu.memref_slice %arg9[%mul3A_32, %dma_wait3A_37] : memref<10240x128xf32, #tpu.memory_space<vmem_shared>> -> memref<80x128xf32, #tpu.memory_space<vmem_shared>>
        tpu.wait_dma2 semaphore(%run_scoped3A : memref<!tpu.dma_semaphore, #tpu.memory_space<semaphore_mem>>) src(%dma_wait3A_38 : memref<80x128xf32, #tpu.memory_space<vmem_shared>>) dst(%arg8 : memref<80x128xf32, #tpu.memory_space<vmem>>)
        tpu.yield
      }) : () -> ()
      "tpu.region"() ({
        %run_scoped3A = tpu.sem_alloc : memref<!tpu.dma_semaphore, #tpu.memory_space<semaphore_mem>>
        %dma_start3A = arith.constant 0 : i32
        %dma_start3A_33 = tpu.memref_slice %arg5[%arg0, %mul3A_32, %dma_start3A] : memref<2x10240x128xf32, #tpu.memory_space<hbm>> -> memref<1x80x128xf32, #tpu.memory_space<hbm>>
        %dma_start3A_34 = tpu.memref_squeeze %dma_start3A_33 : memref<1x80x128xf32, #tpu.memory_space<hbm>> -> memref<80x128xf32, #tpu.memory_space<hbm>>
        %dma_start3A_35 = arith.constant 0 : i32
        %dma_start3A_36 = tpu.memref_slice %arg5[%arg0, %mul3A_32, %dma_start3A_35] : memref<2x10240x128xf32, #tpu.memory_space<hbm>> -> memref<1x80x128xf32, #tpu.memory_space<hbm>>
        %dma_start3A_37 = tpu.memref_squeeze %dma_start3A_36 : memref<1x80x128xf32, #tpu.memory_space<hbm>> -> memref<80x128xf32, #tpu.memory_space<hbm>>
        tpu.enqueue_dma source(%arg8 : memref<80x128xf32, #tpu.memory_space<vmem>>) target(%dma_start3A_37 : memref<80x128xf32, #tpu.memory_space<hbm>>) target_semaphore(%run_scoped3A : memref<!tpu.dma_semaphore, #tpu.memory_space<semaphore_mem>>)
        %dma_wait3A = arith.constant 0 : i32
        %dma_wait3A_38 = tpu.memref_slice %arg5[%arg0, %mul3A_32, %dma_wait3A] : memref<2x10240x128xf32, #tpu.memory_space<hbm>> -> memref<1x80x128xf32, #tpu.memory_space<hbm>>
        %dma_wait3A_39 = tpu.memref_squeeze %dma_wait3A_38 : memref<1x80x128xf32, #tpu.memory_space<hbm>> -> memref<80x128xf32, #tpu.memory_space<hbm>>
        %dma_wait3A_40 = arith.constant 0 : i32
        %dma_wait3A_41 = tpu.memref_slice %arg5[%arg0, %mul3A_32, %dma_wait3A_40] : memref<2x10240x128xf32, #tpu.memory_space<hbm>> -> memref<1x80x128xf32, #tpu.memory_space<hbm>>
        %dma_wait3A_42 = tpu.memref_squeeze %dma_wait3A_41 : memref<1x80x128xf32, #tpu.memory_space<hbm>> -> memref<80x128xf32, #tpu.memory_space<hbm>>
        tpu.wait_dma2 semaphore(%run_scoped3A : memref<!tpu.dma_semaphore, #tpu.memory_space<semaphore_mem>>) src(%arg8 : memref<80x128xf32, #tpu.memory_space<vmem>>) dst(%dma_wait3A_42 : memref<80x128xf32, #tpu.memory_space<hbm>>)
        tpu.yield
      }) : () -> ()
    }
    %scan3A_22 = arith.constant 8 : i32
    return
  }
}

#map = affine_map<(d0, d1) -> (0)>
#map1 = affine_map<(d0, d1) -> (0, 0, 0)>
module attributes {stable_mosaic.version = 14 : i64} {
  func.func @_deg_kernel(%arg0: i32, %arg1: i32, %arg2: memref<320000xi32, #tpu.memory_space<hbm>>, %arg3: memref<2x10240x16xf32, #tpu.memory_space<hbm>>, %arg4: memref<80xi32, #tpu.memory_space<vmem>>, %arg5: memref<80x16xf32, #tpu.memory_space<vmem>>, %arg6: memref<80x16xf32, #tpu.memory_space<vmem>>, %arg7: memref<10240x16xf32, #tpu.memory_space<vmem_shared>>) attributes {dimension_semantics = [#tpu.dimension_semantics<core_parallel>, #tpu.dimension_semantics<subcore_parallel>], iteration_bounds = array<i64: 2, 16>, scalar_prefetch = 0 : i64, scratch_operands = 4 : i64, tpu.core_type = #tpu.core_type<sc_vector_subcore>, window_params = [{transform_indices = #map}, {transform_indices = #map1}]} {
    %mul3A = arith.constant 2 : i32
    %mul3A_0 = arith.muli %arg1, %mul3A : i32
    %add3A = arith.addi %mul3A_0, %arg0 : i32
    %scan3A = arith.constant 0 : i32
    %scan3A_1 = arith.constant 80 : i32
    %scan3A_2 = arith.addi %scan3A, %scan3A_1 : i32
    %scan3A_3 = arith.constant 1 : i32
    scf.for %scan3A_23 = %scan3A to %scan3A_2 step %scan3A_3  : i32 {
      %mul3A_24 = arith.constant 1 : i32
      %mul3A_25 = arith.muli %scan3A_23, %mul3A_24 : i32
      %add3A_26 = arith.constant 0 : i32
      %add3A_27 = arith.addi %add3A_26, %mul3A_25 : i32
      %broadcast_in_dim3A = arith.constant 1.000000e+00 : f32
      %broadcast_in_dim3A_28 = vector.broadcast %broadcast_in_dim3A : f32 to vector<16xf32>
      %swap3A = arith.index_cast %add3A_27 : i32 to index
      %swap3A_29 = arith.constant 0 : index
      %swap3A_30 = tpu.vector_load %arg5[%swap3A, %swap3A_29] {strides = array<i32>} : memref<80x16xf32, #tpu.memory_space<vmem>>, vector<1x16xf32>,
      %swap3A_31 = vector.shape_cast %swap3A_30 : vector<1x16xf32> to vector<16xf32>
      %swap3A_32 = vector.shape_cast %broadcast_in_dim3A_28 : vector<16xf32> to vector<1x16xf32>
      tpu.vector_store %arg5[%swap3A, %swap3A_29], %swap3A_32 {strides = array<i32>} : memref<80x16xf32, #tpu.memory_space<vmem>>, vector<1x16xf32>,
      %broadcast_in_dim3A_33 = arith.constant 0.000000e+00 : f32
      %broadcast_in_dim3A_34 = vector.broadcast %broadcast_in_dim3A_33 : f32 to vector<16xf32>
      %swap3A_35 = arith.index_cast %add3A_27 : i32 to index
      %swap3A_36 = arith.constant 0 : index
      %swap3A_37 = tpu.vector_load %arg6[%swap3A_35, %swap3A_36] {strides = array<i32>} : memref<80x16xf32, #tpu.memory_space<vmem>>, vector<1x16xf32>,
      %swap3A_38 = vector.shape_cast %swap3A_37 : vector<1x16xf32> to vector<16xf32>
      %swap3A_39 = vector.shape_cast %broadcast_in_dim3A_34 : vector<16xf32> to vector<1x16xf32>
      tpu.vector_store %arg6[%swap3A_35, %swap3A_36], %swap3A_39 {strides = array<i32>} : memref<80x16xf32, #tpu.memory_space<vmem>>, vector<1x16xf32>,
    }
    %scan3A_4 = arith.constant 80 : i32
    %scan3A_5 = arith.constant 0 : i32
    %scan3A_6 = arith.constant 8 : i32
    %scan3A_7 = arith.addi %scan3A_5, %scan3A_6 : i32
    %scan3A_8 = arith.constant 1 : i32
    scf.for %scan3A_23 = %scan3A_5 to %scan3A_7 step %scan3A_8  : i32 {
      %mul3A_24 = arith.constant 1 : i32
      %mul3A_25 = arith.muli %scan3A_23, %mul3A_24 : i32
      %add3A_26 = arith.constant 0 : i32
      %add3A_27 = arith.addi %add3A_26, %mul3A_25 : i32
      %mul3A_28 = arith.constant 8 : i32
      %mul3A_29 = arith.muli %arg1, %mul3A_28 : i32
      %add3A_30 = arith.addi %mul3A_29, %add3A_27 : i32
      %mul3A_31 = arith.constant 80 : i32
      %mul3A_32 = arith.muli %add3A_30, %mul3A_31 : i32
      "tpu.region"() ({
        %run_scoped3A = tpu.sem_alloc : memref<!tpu.dma_semaphore, #tpu.memory_space<semaphore_mem>>
        %dma_start3A = arith.constant 0 : i32
        %dma_start3A_33 = tpu.memref_slice %arg7[%mul3A_32, %dma_start3A] : memref<10240x16xf32, #tpu.memory_space<vmem_shared>> -> memref<80x16xf32, #tpu.memory_space<vmem_shared>>
        %dma_start3A_34 = arith.constant 0 : i32
        %dma_start3A_35 = tpu.memref_slice %arg7[%mul3A_32, %dma_start3A_34] : memref<10240x16xf32, #tpu.memory_space<vmem_shared>> -> memref<80x16xf32, #tpu.memory_space<vmem_shared>>
        tpu.enqueue_dma source(%arg6 : memref<80x16xf32, #tpu.memory_space<vmem>>) target(%dma_start3A_35 : memref<80x16xf32, #tpu.memory_space<vmem_shared>>) target_semaphore(%run_scoped3A : memref<!tpu.dma_semaphore, #tpu.memory_space<semaphore_mem>>)
        %dma_wait3A = arith.constant 0 : i32
        %dma_wait3A_36 = tpu.memref_slice %arg7[%mul3A_32, %dma_wait3A] : memref<10240x16xf32, #tpu.memory_space<vmem_shared>> -> memref<80x16xf32, #tpu.memory_space<vmem_shared>>
        %dma_wait3A_37 = arith.constant 0 : i32
        %dma_wait3A_38 = tpu.memref_slice %arg7[%mul3A_32, %dma_wait3A_37] : memref<10240x16xf32, #tpu.memory_space<vmem_shared>> -> memref<80x16xf32, #tpu.memory_space<vmem_shared>>
        tpu.wait_dma2 semaphore(%run_scoped3A : memref<!tpu.dma_semaphore, #tpu.memory_space<semaphore_mem>>) src(%arg6 : memref<80x16xf32, #tpu.memory_space<vmem>>) dst(%dma_wait3A_38 : memref<80x16xf32, #tpu.memory_space<vmem_shared>>)
        tpu.yield
      }) : () -> ()
    }
    %scan3A_9 = arith.constant 8 : i32
    %barrier3A = arith.constant 0 : index
    tpu.barrier barrier_id(%barrier3A)
    %mul3A_10 = arith.constant 10000 : i32
    %mul3A_11 = arith.muli %add3A, %mul3A_10 : i32
    %scan3A_12 = arith.constant 0 : i32
    %scan3A_13 = arith.constant 125 : i32
    %scan3A_14 = arith.addi %scan3A_12, %scan3A_13 : i32
    %scan3A_15 = arith.constant 1 : i32
    scf.for %scan3A_23 = %scan3A_12 to %scan3A_14 step %scan3A_15  : i32 {
      %mul3A_24 = arith.constant 1 : i32
      %mul3A_25 = arith.muli %scan3A_23, %mul3A_24 : i32
      %add3A_26 = arith.constant 0 : i32
      %add3A_27 = arith.addi %add3A_26, %mul3A_25 : i32
      %mul3A_28 = arith.constant 80 : i32
      %mul3A_29 = arith.muli %add3A_27, %mul3A_28 : i32
      %add3A_30 = arith.addi %mul3A_11, %mul3A_29 : i32
      "tpu.region"() ({
        %run_scoped3A = tpu.sem_alloc : memref<!tpu.dma_semaphore, #tpu.memory_space<semaphore_mem>>
        %dma_start3A = tpu.memref_slice %arg2[%add3A_30] : memref<320000xi32, #tpu.memory_space<hbm>> -> memref<80xi32, #tpu.memory_space<hbm>>
        %dma_start3A_31 = tpu.memref_slice %arg2[%add3A_30] : memref<320000xi32, #tpu.memory_space<hbm>> -> memref<80xi32, #tpu.memory_space<hbm>>
        tpu.enqueue_dma source(%dma_start3A_31 : memref<80xi32, #tpu.memory_space<hbm>>) target(%arg4 : memref<80xi32, #tpu.memory_space<vmem>>) target_semaphore(%run_scoped3A : memref<!tpu.dma_semaphore, #tpu.memory_space<semaphore_mem>>)
        %dma_wait3A = tpu.memref_slice %arg2[%add3A_30] : memref<320000xi32, #tpu.memory_space<hbm>> -> memref<80xi32, #tpu.memory_space<hbm>>
        %dma_wait3A_32 = tpu.memref_slice %arg2[%add3A_30] : memref<320000xi32, #tpu.memory_space<hbm>> -> memref<80xi32, #tpu.memory_space<hbm>>
        tpu.wait_dma2 semaphore(%run_scoped3A : memref<!tpu.dma_semaphore, #tpu.memory_space<semaphore_mem>>) src(%dma_wait3A_32 : memref<80xi32, #tpu.memory_space<hbm>>) dst(%arg4 : memref<80xi32, #tpu.memory_space<vmem>>)
        tpu.yield
      }) : () -> ()
      "tpu.region"() ({
        %run_scoped3A = tpu.sem_alloc : memref<!tpu.dma_semaphore, #tpu.memory_space<semaphore_mem>>
        %dma_start3A = arith.constant 0 : i32
        %dma_start3A_31 = arith.constant 0 : i32
        %dma_start3A_32 = tpu.memref_slice %arg7[%dma_start3A, %dma_start3A_31] : memref<10240x16xf32, #tpu.memory_space<vmem_shared>> -> memref<10240x16xf32, #tpu.memory_space<vmem_shared>>
        tpu.enqueue_indirect_dma source(%arg5 : memref<80x16xf32, #tpu.memory_space<vmem>>) target(%dma_start3A_32 : memref<10240x16xf32, #tpu.memory_space<vmem_shared>>) offsets(%arg4 : memref<80xi32, #tpu.memory_space<vmem>>) semaphore(%run_scoped3A : memref<!tpu.dma_semaphore, #tpu.memory_space<semaphore_mem>>) {add = true}
        %dma_wait3A = arith.constant 0 : i32
        %dma_wait3A_33 = arith.constant 0 : i32
        %dma_wait3A_34 = tpu.memref_slice %arg7[%dma_wait3A, %dma_wait3A_33] : memref<10240x16xf32, #tpu.memory_space<vmem_shared>> -> memref<10240x16xf32, #tpu.memory_space<vmem_shared>>
        tpu.wait_indirect_dma semaphore(%run_scoped3A : memref<!tpu.dma_semaphore, #tpu.memory_space<semaphore_mem>>) src(%arg5 : memref<80x16xf32, #tpu.memory_space<vmem>>) dst(%dma_wait3A_34 : memref<10240x16xf32, #tpu.memory_space<vmem_shared>>)
        tpu.yield
      }) : () -> ()
    }
    %scan3A_16 = arith.constant 125 : i32
    %barrier3A_17 = arith.constant 0 : index
    tpu.barrier barrier_id(%barrier3A_17)
    %scan3A_18 = arith.constant 0 : i32
    %scan3A_19 = arith.constant 8 : i32
    %scan3A_20 = arith.addi %scan3A_18, %scan3A_19 : i32
    %scan3A_21 = arith.constant 1 : i32
    scf.for %scan3A_23 = %scan3A_18 to %scan3A_20 step %scan3A_21  : i32 {
      %mul3A_24 = arith.constant 1 : i32
      %mul3A_25 = arith.muli %scan3A_23, %mul3A_24 : i32
      %add3A_26 = arith.constant 0 : i32
      %add3A_27 = arith.addi %add3A_26, %mul3A_25 : i32
      %mul3A_28 = arith.constant 8 : i32
      %mul3A_29 = arith.muli %arg1, %mul3A_28 : i32
      %add3A_30 = arith.addi %mul3A_29, %add3A_27 : i32
      %mul3A_31 = arith.constant 80 : i32
      %mul3A_32 = arith.muli %add3A_30, %mul3A_31 : i32
      "tpu.region"() ({
        %run_scoped3A = tpu.sem_alloc : memref<!tpu.dma_semaphore, #tpu.memory_space<semaphore_mem>>
        %dma_start3A = arith.constant 0 : i32
        %dma_start3A_33 = tpu.memref_slice %arg7[%mul3A_32, %dma_start3A] : memref<10240x16xf32, #tpu.memory_space<vmem_shared>> -> memref<80x16xf32, #tpu.memory_space<vmem_shared>>
        %dma_start3A_34 = arith.constant 0 : i32
        %dma_start3A_35 = tpu.memref_slice %arg7[%mul3A_32, %dma_start3A_34] : memref<10240x16xf32, #tpu.memory_space<vmem_shared>> -> memref<80x16xf32, #tpu.memory_space<vmem_shared>>
        tpu.enqueue_dma source(%dma_start3A_35 : memref<80x16xf32, #tpu.memory_space<vmem_shared>>) target(%arg5 : memref<80x16xf32, #tpu.memory_space<vmem>>) target_semaphore(%run_scoped3A : memref<!tpu.dma_semaphore, #tpu.memory_space<semaphore_mem>>)
        %dma_wait3A = arith.constant 0 : i32
        %dma_wait3A_36 = tpu.memref_slice %arg7[%mul3A_32, %dma_wait3A] : memref<10240x16xf32, #tpu.memory_space<vmem_shared>> -> memref<80x16xf32, #tpu.memory_space<vmem_shared>>
        %dma_wait3A_37 = arith.constant 0 : i32
        %dma_wait3A_38 = tpu.memref_slice %arg7[%mul3A_32, %dma_wait3A_37] : memref<10240x16xf32, #tpu.memory_space<vmem_shared>> -> memref<80x16xf32, #tpu.memory_space<vmem_shared>>
        tpu.wait_dma2 semaphore(%run_scoped3A : memref<!tpu.dma_semaphore, #tpu.memory_space<semaphore_mem>>) src(%dma_wait3A_38 : memref<80x16xf32, #tpu.memory_space<vmem_shared>>) dst(%arg5 : memref<80x16xf32, #tpu.memory_space<vmem>>)
        tpu.yield
      }) : () -> ()
      "tpu.region"() ({
        %run_scoped3A = tpu.sem_alloc : memref<!tpu.dma_semaphore, #tpu.memory_space<semaphore_mem>>
        %dma_start3A = arith.constant 0 : i32
        %dma_start3A_33 = tpu.memref_slice %arg3[%arg0, %mul3A_32, %dma_start3A] : memref<2x10240x16xf32, #tpu.memory_space<hbm>> -> memref<1x80x16xf32, #tpu.memory_space<hbm>>
        %dma_start3A_34 = tpu.memref_squeeze %dma_start3A_33 : memref<1x80x16xf32, #tpu.memory_space<hbm>> -> memref<80x16xf32, #tpu.memory_space<hbm>>
        %dma_start3A_35 = arith.constant 0 : i32
        %dma_start3A_36 = tpu.memref_slice %arg3[%arg0, %mul3A_32, %dma_start3A_35] : memref<2x10240x16xf32, #tpu.memory_space<hbm>> -> memref<1x80x16xf32, #tpu.memory_space<hbm>>
        %dma_start3A_37 = tpu.memref_squeeze %dma_start3A_36 : memref<1x80x16xf32, #tpu.memory_space<hbm>> -> memref<80x16xf32, #tpu.memory_space<hbm>>
        tpu.enqueue_dma source(%arg5 : memref<80x16xf32, #tpu.memory_space<vmem>>) target(%dma_start3A_37 : memref<80x16xf32, #tpu.memory_space<hbm>>) target_semaphore(%run_scoped3A : memref<!tpu.dma_semaphore, #tpu.memory_space<semaphore_mem>>)
        %dma_wait3A = arith.constant 0 : i32
        %dma_wait3A_38 = tpu.memref_slice %arg3[%arg0, %mul3A_32, %dma_wait3A] : memref<2x10240x16xf32, #tpu.memory_space<hbm>> -> memref<1x80x16xf32, #tpu.memory_space<hbm>>
        %dma_wait3A_39 = tpu.memref_squeeze %dma_wait3A_38 : memref<1x80x16xf32, #tpu.memory_space<hbm>> -> memref<80x16xf32, #tpu.memory_space<hbm>>
        %dma_wait3A_40 = arith.constant 0 : i32
        %dma_wait3A_41 = tpu.memref_slice %arg3[%arg0, %mul3A_32, %dma_wait3A_40] : memref<2x10240x16xf32, #tpu.memory_space<hbm>> -> memref<1x80x16xf32, #tpu.memory_space<hbm>>
        %dma_wait3A_42 = tpu.memref_squeeze %dma_wait3A_41 : memref<1x80x16xf32, #tpu.memory_space<hbm>> -> memref<80x16xf32, #tpu.memory_space<hbm>>
        tpu.wait_dma2 semaphore(%run_scoped3A : memref<!tpu.dma_semaphore, #tpu.memory_space<semaphore_mem>>) src(%arg5 : memref<80x16xf32, #tpu.memory_space<vmem>>) dst(%dma_wait3A_42 : memref<80x16xf32, #tpu.memory_space<hbm>>)
        tpu.yield
      }) : () -> ()
    }
    %scan3A_22 = arith.constant 8 : i32
    return
  }
}

module attributes {stable_mosaic.version = 14 : i64} {
  func.func @_lin_body(%arg0: i32, %arg1: memref<2000x128xf32, #tpu.memory_space<vmem>>, %arg2: memref<2000x1xf32, #tpu.memory_space<vmem>>, %arg3: memref<2000x1xf32, #tpu.memory_space<vmem>>, %arg4: memref<2000x1xf32, #tpu.memory_space<vmem>>, %arg5: memref<128x128xf32, #tpu.memory_space<vmem>>, %arg6: memref<2000x128xf32, #tpu.memory_space<vmem>>, %arg7: memref<2000x1xf32, #tpu.memory_space<vmem>>) attributes {dimension_semantics = [#tpu.dimension_semantics<arbitrary>], iteration_bounds = array<i64: 5>, scalar_prefetch = 0 : i64, scratch_operands = 0 : i64, tpu.core_type = #tpu.core_type<tc>, window_params = [{transform_indices = @transform_0, window_bounds = array<i64: 2000, 128>}, {transform_indices = @transform_1, window_bounds = array<i64: 2000, 1>}, {transform_indices = @transform_2, window_bounds = array<i64: 2000, 1>}, {transform_indices = @transform_3, window_bounds = array<i64: 2000, 1>}, {pipeline_mode = #tpu.pipeline_mode<synchronous>, transform_indices = @transform_4, window_bounds = array<i64: 128, 128>}, {transform_indices = @transform_5, window_bounds = array<i64: 2000, 128>}, {transform_indices = @transform_6, window_bounds = array<i64: 2000, 1>}]} {
    %get3A = arith.constant 0 : index
    %get3A_0 = arith.constant 0 : index
    %get3A_1 = vector.load %arg3[%get3A, %get3A_0] : memref<2000x1xf32, #tpu.memory_space<vmem>>, vector<2000x1xf32>
    %add3A = arith.constant 1.000000e+00 : f32
    %add3A_2 = vector.broadcast %add3A : f32 to vector<2000x1xf32>
    %add3A_3 = arith.addf %add3A_2, %get3A_1 : vector<2000x1xf32>
    %get3A_4 = arith.constant 0 : index
    %get3A_5 = arith.constant 0 : index
    %get3A_6 = vector.load %arg4[%get3A_4, %get3A_5] : memref<2000x1xf32, #tpu.memory_space<vmem>>, vector<2000x1xf32>
    %add3A_7 = arith.addf %add3A_3, %get3A_6 : vector<2000x1xf32>
    %get3A_8 = arith.constant 0 : index
    %get3A_9 = arith.constant 0 : index
    %get3A_10 = vector.load %arg2[%get3A_8, %get3A_9] : memref<2000x1xf32, #tpu.memory_space<vmem>>, vector<2000x1xf32>
    %rsqrt3A = math.rsqrt %add3A_7 : vector<2000x1xf32>
    %mul3A = arith.mulf %get3A_10, %rsqrt3A : vector<2000x1xf32>
    %swap3A = arith.constant 0 : index
    %swap3A_11 = arith.constant 0 : index
    %swap3A_12 = vector.load %arg7[%swap3A, %swap3A_11] : memref<2000x1xf32, #tpu.memory_space<vmem>>, vector<2000x1xf32>
    tpu.vector_store %arg7[%swap3A, %swap3A_11], %mul3A {strides = array<i32>} : memref<2000x1xf32, #tpu.memory_space<vmem>>, vector<2000x1xf32>,
    %get3A_13 = arith.constant 0 : index
    %get3A_14 = arith.constant 0 : index
    %get3A_15 = vector.load %arg1[%get3A_13, %get3A_14] : memref<2000x128xf32, #tpu.memory_space<vmem>>, vector<2000x128xf32>
    %mul3A_16 = vector.broadcast %mul3A : vector<2000x1xf32> to vector<2000x128xf32>
    %mul3A_17 = arith.mulf %get3A_15, %mul3A_16 : vector<2000x128xf32>
    %get3A_18 = arith.constant 0 : index
    %get3A_19 = arith.constant 0 : index
    %get3A_20 = vector.load %arg5[%get3A_18, %get3A_19] : memref<128x128xf32, #tpu.memory_space<vmem>>, vector<128x128xf32>
    %dot_general3A = arith.constant dense<0.000000e+00> : vector<2000x128xf32>
    %dot_general3A_21 = tpu.matmul %mul3A_17, %get3A_20, %dot_general3A {dimension_numbers = #tpu.dot_dimension_numbers<[1], [0], [0], [1], [0, 0, 1, 1], [], []>, transpose_lhs_hint = false} : vector<2000x128xf32>, vector<128x128xf32>, vector<2000x128xf32> -> vector<2000x128xf32>
    %swap3A_22 = arith.constant 0 : index
    %swap3A_23 = arith.constant 0 : index
    %swap3A_24 = vector.load %arg6[%swap3A_22, %swap3A_23] : memref<2000x128xf32, #tpu.memory_space<vmem>>, vector<2000x128xf32>
    tpu.vector_store %arg6[%swap3A_22, %swap3A_23], %dot_general3A_21 {strides = array<i32>} : memref<2000x128xf32, #tpu.memory_space<vmem>>, vector<2000x128xf32>,
    return
  }
  func.func @transform_0(%arg0: i32) -> (i32, i32) {
    %c0_i32 = arith.constant 0 : i32
    %c0_i32_0 = arith.constant 0 : i32
    return %arg0, %c0_i32 : i32, i32
  }
  func.func @transform_1(%arg0: i32) -> (i32, i32) {
    %c0_i32 = arith.constant 0 : i32
    %c0_i32_0 = arith.constant 0 : i32
    return %arg0, %c0_i32 : i32, i32
  }
  func.func @transform_2(%arg0: i32) -> (i32, i32) {
    %c0_i32 = arith.constant 0 : i32
    %c0_i32_0 = arith.constant 0 : i32
    return %arg0, %c0_i32 : i32, i32
  }
  func.func @transform_3(%arg0: i32) -> (i32, i32) {
    %c0_i32 = arith.constant 0 : i32
    %c0_i32_0 = arith.constant 0 : i32
    return %arg0, %c0_i32 : i32, i32
  }
  func.func @transform_4(%arg0: i32) -> (i32, i32) {
    %c0_i32 = arith.constant 0 : i32
    %c0_i32_0 = arith.constant 0 : i32
    %c0_i32_1 = arith.constant 0 : i32
    return %c0_i32, %c0_i32_0 : i32, i32
  }
  func.func @transform_5(%arg0: i32) -> (i32, i32) {
    %c0_i32 = arith.constant 0 : i32
    %c0_i32_0 = arith.constant 0 : i32
    return %arg0, %c0_i32 : i32, i32
  }
  func.func @transform_6(%arg0: i32) -> (i32, i32) {
    %c0_i32 = arith.constant 0 : i32
    %c0_i32_0 = arith.constant 0 : i32
    return %arg0, %c0_i32 : i32, i32
  }
}

module attributes {stable_mosaic.version = 14 : i64} {
  func.func @_fin_body(%arg0: i32, %arg1: memref<2000x128xf32, #tpu.memory_space<vmem>>, %arg2: memref<2000x128xf32, #tpu.memory_space<vmem>>, %arg3: memref<2000x128xf32, #tpu.memory_space<vmem>>, %arg4: memref<2000x1xf32, #tpu.memory_space<vmem>>, %arg5: memref<2000x1xf32, #tpu.memory_space<vmem>>, %arg6: memref<1x128xf32, #tpu.memory_space<vmem>>, %arg7: memref<2000x128xf32, #tpu.memory_space<vmem>>) attributes {dimension_semantics = [#tpu.dimension_semantics<arbitrary>], iteration_bounds = array<i64: 5>, scalar_prefetch = 0 : i64, scratch_operands = 0 : i64, tpu.core_type = #tpu.core_type<tc>, window_params = [{transform_indices = @transform_0, window_bounds = array<i64: 2000, 128>}, {transform_indices = @transform_1, window_bounds = array<i64: 2000, 128>}, {transform_indices = @transform_2, window_bounds = array<i64: 2000, 128>}, {transform_indices = @transform_3, window_bounds = array<i64: 2000, 1>}, {transform_indices = @transform_4, window_bounds = array<i64: 2000, 1>}, {pipeline_mode = #tpu.pipeline_mode<synchronous>, transform_indices = @transform_5, window_bounds = array<i64: 1, 128>}, {transform_indices = @transform_6, window_bounds = array<i64: 2000, 128>}]} {
    %get3A = arith.constant 0 : index
    %get3A_0 = arith.constant 0 : index
    %get3A_1 = vector.load %arg1[%get3A, %get3A_0] : memref<2000x128xf32, #tpu.memory_space<vmem>>, vector<2000x128xf32>
    %get3A_2 = arith.constant 0 : index
    %get3A_3 = arith.constant 0 : index
    %get3A_4 = vector.load %arg2[%get3A_2, %get3A_3] : memref<2000x128xf32, #tpu.memory_space<vmem>>, vector<2000x128xf32>
    %add3A = arith.addf %get3A_1, %get3A_4 : vector<2000x128xf32>
    %get3A_5 = arith.constant 0 : index
    %get3A_6 = arith.constant 0 : index
    %get3A_7 = vector.load %arg3[%get3A_5, %get3A_6] : memref<2000x128xf32, #tpu.memory_space<vmem>>, vector<2000x128xf32>
    %add3A_8 = arith.addf %add3A, %get3A_7 : vector<2000x128xf32>
    %get3A_9 = arith.constant 0 : index
    %get3A_10 = arith.constant 0 : index
    %get3A_11 = vector.load %arg4[%get3A_9, %get3A_10] : memref<2000x1xf32, #tpu.memory_space<vmem>>, vector<2000x1xf32>
    %mul3A = vector.broadcast %get3A_11 : vector<2000x1xf32> to vector<2000x128xf32>
    %mul3A_12 = arith.mulf %mul3A, %add3A_8 : vector<2000x128xf32>
    %get3A_13 = arith.constant 0 : index
    %get3A_14 = arith.constant 0 : index
    %get3A_15 = vector.load %arg5[%get3A_13, %get3A_14] : memref<2000x1xf32, #tpu.memory_space<vmem>>, vector<2000x1xf32>
    %get3A_16 = arith.constant 0 : index
    %get3A_17 = arith.constant 0 : index
    %get3A_18 = vector.load %arg6[%get3A_16, %get3A_17] : memref<1x128xf32, #tpu.memory_space<vmem>>, vector<1x128xf32>
    %mul3A_19 = vector.broadcast %get3A_15 : vector<2000x1xf32> to vector<2000x128xf32>
    %mul3A_20 = vector.broadcast %get3A_18 : vector<1x128xf32> to vector<2000x128xf32>
    %mul3A_21 = arith.mulf %mul3A_19, %mul3A_20 : vector<2000x128xf32>
    %add3A_22 = arith.addf %mul3A_12, %mul3A_21 : vector<2000x128xf32>
    %swap3A = arith.constant 0 : index
    %swap3A_23 = arith.constant 0 : index
    %swap3A_24 = vector.load %arg7[%swap3A, %swap3A_23] : memref<2000x128xf32, #tpu.memory_space<vmem>>, vector<2000x128xf32>
    tpu.vector_store %arg7[%swap3A, %swap3A_23], %add3A_22 {strides = array<i32>} : memref<2000x128xf32, #tpu.memory_space<vmem>>, vector<2000x128xf32>,
    return
  }
  func.func @transform_0(%arg0: i32) -> (i32, i32) {
    %c0_i32 = arith.constant 0 : i32
    %c0_i32_0 = arith.constant 0 : i32
    return %arg0, %c0_i32 : i32, i32
  }
  func.func @transform_1(%arg0: i32) -> (i32, i32) {
    %c0_i32 = arith.constant 0 : i32
    %c0_i32_0 = arith.constant 0 : i32
    return %arg0, %c0_i32 : i32, i32
  }
  func.func @transform_2(%arg0: i32) -> (i32, i32) {
    %c0_i32 = arith.constant 0 : i32
    %c0_i32_0 = arith.constant 0 : i32
    return %arg0, %c0_i32 : i32, i32
  }
  func.func @transform_3(%arg0: i32) -> (i32, i32) {
    %c0_i32 = arith.constant 0 : i32
    %c0_i32_0 = arith.constant 0 : i32
    return %arg0, %c0_i32 : i32, i32
  }
  func.func @transform_4(%arg0: i32) -> (i32, i32) {
    %c0_i32 = arith.constant 0 : i32
    %c0_i32_0 = arith.constant 0 : i32
    return %arg0, %c0_i32 : i32, i32
  }
  func.func @transform_5(%arg0: i32) -> (i32, i32) {
    %c0_i32 = arith.constant 0 : i32
    %c0_i32_0 = arith.constant 0 : i32
    %c0_i32_1 = arith.constant 0 : i32
    return %c0_i32, %c0_i32_0 : i32, i32
  }
  func.func @transform_6(%arg0: i32) -> (i32, i32) {
    %c0_i32 = arith.constant 0 : i32
    %c0_i32_0 = arith.constant 0 : i32
    return %arg0, %c0_i32 : i32, i32
  }
}

</mosaic_0001>

<sc_bundles>
// kernel: kernel.6.cloned.1.call-start
scs
__scs_entry_jumppad:
0x0: {  	(pc) =	sbr.rel $0x88, $3  }
0x1: {  	(tag) =	ssettag $0x0;
	lr =	simm.s32 $0x1  }
0x2: {  	[smem:$0x3F9C] =	sst lr;
	_ =	strace $0xD0000000  }
0x3: {  	_ = 	snop  }
0x4: {  	_ = 	snop  }
0x5: {  	_ = 	snop  }
0x6: {  	_ = 	snop  }
0x7: {  	_ = 	snop  }
__scs_overlays_trampoline_lowered:
0x8: {  	[smem:$0x3FAB] =	sst s0  }
0x9: {  	[smem:$0x3FAC] =	sst s1  }
0xa: {  	[smem:$0x3FAD] =	sst s2  }
0xb: {  	[smem:$0x3FAE] =	sst s3  }
0xc: {  	[smem:$0x3FAF] =	sst s4  }
0xd: {  	[smem:$0x3FB0] =	sst s5  }
0xe: {  	[smem:$0x3FB1] =	sst s6  }
0xf: {  	[smem:$0x3FB2] =	sst s7  }
0x10: {  	[smem:$0x3FB3] =	sst s8  }
0x11: {  	[smem:$0x3FB4] =	sst s9;
	s0 =	simm.s32 @!p0 $0x0  }
0x12: {  	s1 =	sld [smem:$0x3F9A];
	s0 =	simm.s32 @p0 $0x1  }
0x13: {  	[smem:$0x3FB5] =	sst s0;
	s0 =	simm.s32 @!p1 $0x0  }
0x14: {  	s2 =	sld [smem:$0x3F99];
	s0 =	simm.s32 @p1 $0x1  }
0x15: {  	[smem:$0x3FB6] =	sst s0;
	s0 =	simm.s32 @!p2 $0x0  }
0x16: {  	s3 =	sld [smem:$0x3FDB];
	s0 =	simm.s32 @p2 $0x1  }
0x17: {  	s4 =	simm.s32 $0x1BF5;
	[smem:$0x3FB8] =	sst s0  }
0x18: {  	s0 =	sld [smem:$0x3F9B];
	_ =	swait.ge [sflag:s4], $0x0  }
0x19: {  	s7 =	sld [smem:$0x3F9C]  }
0x1a: {  	s8 =	sadd.s32 $0xFFFFE003, lr  }
0x1b: {  	s9 =	sadd.s32 $0xFFFFFEF7, lr;
	s5 =	simm.s32 $0xFFFFFFFF;
	p2 =	slt.u32 s8, $0xFFFFF086  }
0x1c: {  	p1 =	slt.u32 s9, $0xF7A;
	s5 =	simm.s32 @!p2 $0x0  }
0x1d: {  	s5 =	simm.s32 @p1 $0x1;
	p0 =	seq.s32 s7, s2  }
0x1e: {  	s7 =	smul.u32 @!p0 $0xF7A, s2;
	p2 =	seq.s32 @!p0 s5, $0x0  }
0x1f: {  	s9 =	smul.u32 $0xF7A, s1;
	s8 =	simm.s32 @!p0 $0x1BF5;
	p2 =	por !p2, p0  }
0x20: {  	[sflag:s8] =	ssyncset.s32 @!p0 $0xFFFFF086;
	s6 =	sadd.s32 @!p0 s3, s7;
	s7 =	simm.s32 @!p0 $0x108  }
0x21: {  	s3 =	sadd.s32 s3, s9;
	s6 =	sadd.s32 @!p0 $0x88, s6;
	s7 =	simm.s32 @p2 $0x1082  }
0x22: {  	[simem:s7], [sflag:s8] =	dma.local @!p0 [hbm:s6], $0xF7A  }
0x23: {  	s9 =	sor.u32 $0xD0000000, s2;
	s6 =	simm.s32 $0x108;
	_ =	swait.ge @!p0 [sflag:s8], $0x0  }
0x24: {  	s3 =	sadd.s32 $0x88, s3;
	s6 =	simm.s32 @!p1 $0x1082;
	[sflag:s4] =	ssyncset.s32 $0xFFFFF086  }
0x25: {  	[simem:s6], [sflag:s4] =	dma.local [hbm:s3], $0xF7A  }
0x26: {  	[smem:$0x3F9C] =	sst s1;
	(tag) =	ssettag s2;
	_ =	strace s9  }
0x27: {  	s1 =	sld [smem:$0x3FAC]  }
0x28: {  	s2 =	sld [smem:$0x3FAD]  }
0x29: {  	s4 =	sld [smem:$0x3FAF]  }
0x2a: {  	p0 =	seq.s32 s5, $0x0;
	s5 =	sld [smem:$0x3FB0]  }
0x2b: {  	s6 =	sld [smem:$0x3FB1]  }
0x2c: {  	s7 =	sld [smem:$0x3FB2]  }
0x2d: {  	s3 =	simm.s32 $0x108;
	s8 =	sld [smem:$0x3FB3]  }
0x2e: {  	s3 =	simm.s32 @!p0 $0x1082;
	s9 =	sld [smem:$0x3FB4]  }
0x2f: {  	lr =	sadd.s32 s0, s3;
	s0 =	sld [smem:$0x3FAB]  }
0x30: {  	s3 =	sld [smem:$0x3FAE]  }
0x31: {  	[smem:$0x3FB7] =	sst s10  }
0x32: {  	s10 =	sld [smem:$0x3FB5];
	_ =	sdelay $0x3  }
0x33: {  	p0 =	seq.s32 s10, $0x1;
	s10 =	sld [smem:$0x3FB7];
	_ =	sdelay $0x3  }
0x34: {  	[smem:$0x3FB7] =	sst s10  }
0x35: {  	s10 =	sld [smem:$0x3FB6];
	_ =	sdelay $0x3  }
0x36: {  	p1 =	seq.s32 s10, $0x1;
	s10 =	sld [smem:$0x3FB7];
	_ =	sdelay $0x3  }
0x37: {  	[smem:$0x3FB7] =	sst s10  }
0x38: {  	s10 =	sld [smem:$0x3FB8]  }
0x39: {  	_ = 	snop;
	(pc) =	sbr.ind lr, $3  }
0x3a: {  	_ = 	snop  }
0x3b: {  	_ = 	snop  }
0x3c: {  	p2 =	seq.s32 s10, $0x1;
	s10 =	sld [smem:$0x3FB7]  }
0x3d: {  	_ =	shalt  }
0x3e: {  	_ =	shalt  }
0x3f: {  	_ =	shalt  }
0x40: {  	_ =	shalt  }
0x41: {  	_ =	shalt  }
0x42: {  	_ =	shalt  }
0x43: {  	_ =	shalt  }
0x44: {  	_ =	shalt  }
0x45: {  	_ =	shalt  }
0x46: {  	_ =	shalt  }
0x47: {  	_ =	shalt  }
0x48: {  	_ =	shalt  }
0x49: {  	_ =	shalt  }
0x4a: {  	_ =	shalt  }
0x4b: {  	_ =	shalt  }
0x4c: {  	_ =	shalt  }
0x4d: {  	_ =	shalt  }
0x4e: {  	_ =	shalt  }
0x4f: {  	_ =	shalt  }
0x50: {  	_ =	shalt  }
0x51: {  	_ =	shalt  }
0x52: {  	_ =	shalt  }
0x53: {  	_ =	shalt  }
0x54: {  	_ =	shalt  }
0x55: {  	_ =	shalt  }
0x56: {  	_ =	shalt  }
0x57: {  	_ =	shalt  }
0x58: {  	_ =	shalt  }
0x59: {  	_ =	shalt  }
0x5a: {  	_ =	shalt  }
0x5b: {  	_ =	shalt  }
0x5c: {  	_ =	shalt  }
0x5d: {  	_ =	shalt  }
0x5e: {  	_ =	shalt  }
0x5f: {  	_ =	shalt  }
0x60: {  	_ =	shalt  }
0x61: {  	_ =	shalt  }
0x62: {  	_ =	shalt  }
0x63: {  	_ =	shalt  }
0x64: {  	_ =	shalt  }
0x65: {  	_ =	shalt  }
0x66: {  	_ =	shalt  }
0x67: {  	_ =	shalt  }
0x68: {  	_ =	shalt  }
0x69: {  	_ =	shalt  }
0x6a: {  	_ =	shalt  }
0x6b: {  	_ =	shalt  }
0x6c: {  	_ =	shalt  }
0x6d: {  	_ =	shalt  }
0x6e: {  	_ =	shalt  }
0x6f: {  	_ =	shalt  }
0x70: {  	_ =	shalt  }
0x71: {  	_ =	shalt  }
0x72: {  	_ =	shalt  }
0x73: {  	_ =	shalt  }
0x74: {  	_ =	shalt  }
0x75: {  	_ =	shalt  }
0x76: {  	_ =	shalt  }
0x77: {  	_ =	shalt  }
0x78: {  	_ =	shalt  }
0x79: {  	_ =	shalt  }
0x7a: {  	_ =	shalt  }
0x7b: {  	_ =	shalt  }
0x7c: {  	_ =	shalt  }
0x7d: {  	_ =	shalt  }
0x7e: {  	_ =	shalt  }
0x7f: {  	_ =	shalt  }
0x80: {  	_ =	shalt  }
0x81: {  	_ =	shalt  }
0x82: {  	_ =	shalt  }
0x83: {  	_ =	shalt  }
0x84: {  	_ =	shalt  }
0x85: {  	_ =	shalt  }
0x86: {  	_ =	shalt  }
0x87: {  	_ =	shalt  }
.Lfunc_end0:
.L_simem_size_0:
called_computation_lowered:
.L_overlay_start_0:
0x88: {  	s2 =	sld [smem:$0x3FD9]  }
0x89: {  	s3 =	sld [smem:$0x3FFE];
	_ =	sdelay $0x1  }
0x8a: {  	s1 =	srdreg.scid  }
0x8b: {  	s0 =	sand.u32 $0x1, s1  }
0x8c: {  	s16 =	sshll.u32 s0, $0xA;
	s2 =	sadd.s32 s3, s2  }
0x8d: {  	s2 =	sadd.s32 s2, s16  }
0x8e: {  	[smem:$0x3FC3] =	sst s2  }
0x8f: {  	_ = 	snop  }
0x90: {  	(tm) =	ssettm $0x1  }
0x91: {  	s17 =	sld [smem:$0x3FFB];
	_ =	sdelay $0x3  }
0x92: {  	_ =	strace s17  }
0x93: {  	s2 =	sld [smem:$0x3FFC];
	_ =	sdelay $0x3  }
0x94: {  	_ =	strace s2  }
0x95: {  	s2 =	sld [smem:$0x3FFD];
	_ =	sdelay $0x3  }
0x96: {  	_ =	strace s2  }
0x97: {  	_ =	strace $0x8FFFFFFF  }
0x98: {  	s18 =	sld [smem:$0x3FDB];
	_ =	sdelay $0x1  }
0x99: {  	s19 =	simm.s32 $_scs_section_size  }
0x9a: {  	s4 =	simm.s32 $_size__tile_overlayer_lowered;
	s5 =	simm.s32 $_tile_overlayer_lowered  }
0x9b: {  	s22 =	simm.s32 $0x1BFF;
	s21 =	sshll.u32 s5, $0x1;
	s2 =	sadd.s32 s19, s18  }
0x9c: {  	s6 =	simm.s32 $0x0;
	s20 =	sshll.u32 s4, $0x1;
	s4 =	sadd.s32 s21, s2  }
0x9d: {  	[timem:s6], [sflag:s22] =	dma.local [hbm:s4], s20  }
0x9e: {  	_ =	swait.ge [sflag:s22], s20  }
0x9f: {  	s3 =	ssub.s32 $0x0, s20;
	[sflag:s22] =	ssyncset.done $0x0  }
0xa0: {  	[sflag:s22] =	ssyncadd.s32 s3;
	_ =	sdelay $0x1  }
0xa1: {  	s23 =	simm.s32 $0x1B8B  }
0xa2: {  	_ =	swait.ge [sflag:s23], $0x1  }
0xa3: {  	[sflag:s23] =	ssyncset.done $0x0  }
0xa4: {  	s25 =	simm.s32 $0x1B8E;
	s24 =	sld [smem:$0x3FFE];
	[sflag:s23] =	ssyncadd.s32 $0xFFFFFFFF  }
0xa5: {  	s26 =	simm.s32 $execute0_lowered;
	[smem:$0x3FD2] =	sst s25  }
0xa6: {  	s4 =	sshll.u32 s26, $0x1;
	_ =	strace $0x80000046;
	[dreg:$0x1] =	wrdreg $0xFFFFFFFF  }
0xa7: {  	s28 =	simm.s32 $_size_execute0_lowered;
	s2 =	sadd.s32 s2, s4;
	[dreg:$0x0] =	wrdreg $0x0  }
0xa8: {  	s4 =	sshll.u32 s28, $0x1;
	[dreg:$0x2] =	wrdreg s2  }
0xa9: {  	[dreg:$0x3] =	wrdreg s4  }
0xaa: {  	[dreg:$0x4] =	wrdreg $0xC0  }
0xab: {  	_ =	task [dreg:s6], $0x5FFFF  }
0xac: {  	[dreg:$0x1] =	wrdreg $0xFFFFFFFF  }
0xad: {  	[dreg:$0x0] =	wrdreg $0x60  }
0xae: {  	[dreg:$0x2] =	wrdreg s24  }
0xaf: {  	[dreg:$0x3] =	wrdreg $0x50800  }
0xb0: {  	[dreg:$0x4] =	wrdreg $0x9  }
0xb1: {  	_ =	task.clear_ibuf [dreg:s6], $0x5FFFF;
	_ =	strace $0x90000046  }
0xb2: {  	s29 =	simm.s32 $0x9;
	_ =	strace $0x80000048  }
0xb3: {  	_ =	swait.ge [sflag:s29], $0x1  }
0xb4: {  	[sflag:s29] =	ssyncadd.s32 $0xFFFFFFFF  }
0xb5: {  	_ =	strace $0x90000048  }
0xb6: {  	_ =	sfence  }
0xb7: {  	s30 =	sld [smem:$0x0];
	_ =	sdelay $0x2  }
0xb8: {  	s31 =	sshll.u32 s1, $0xD;
	s1 =	sshrl.u32 s1, $0x2  }
0xb9: {  	s3 =	sand.u32 $0x4000, s31;
	s1 =	sadd.s32 s1, s30  }
0xba: {  	s0 =	sor.u32 s3, s0;
	s1 =	sshll.u32 s1, $0x11  }
0xbb: {  	s0 =	sor.u32 s1, s0  }
0xbc: {  	s0 =	sadd.s32 $0x8F2B, s0  }
0xbd: {  	[sflag:s0] =	ssyncadd.remote.s32 $0x1  }
0xbe: {  	_ =	sfence.sel $0xFFFF  }
0xbf: {  	[dreg:$0x0] =	wrdreg $0xFFFFFFFF;
	(pc) =	sbr.abs _section_cstart, $3  }
0xc0: {  	[dreg:$0x1] =	wrdreg $0xFFFFFFFF  }
0xc1: {  	_ =	task.clear_ibuf [dreg:s6], $0x2FFFF;
	_ =	strace $0x9FFFFFFF  }
0xc2: {  	(tm) =	ssettm $0x7FFFFFFF  }
0xc3: {  	_ =	shalt  }
tec
execute0_lowered:
.L_overlay_start_1:
0x0: {  	(tag) =	ssettag $0x1  }
0x1: {  	s0 =	stileid.u32  }
0x2: {  	s1 =	srdreg.scid;
	s5 =	smul.u32 $0x4E20, s0  }
0x3: {  	s4 =	sand.u32 $0x1, s1;
	s17 =	smul.u32 $0x50000, s0  }
0x4: {  	s8 =	sshll.u32 s0, $0x3;
	s7 =	smul.u32 $0x2710, s4  }
0x5: {  	s6 =	rddreg [dreg:$0x0];
	s18 =	smul.u32 $0x140000, s4;
	s12 =	sor.u32 $0x1, s8  }
0x6: {  	s2 =	rddreg [dreg:$0x1];
	s13 =	sor.u32 $0x2, s8;
	s23 =	smul.u32 $0xA000, s12  }
0x7: {  	s3 =	simm.s32 $0x0;
	s14 =	sor.u32 $0x3, s8;
	s24 =	smul.u32 $0xA000, s13  }
0x8: {  	s1 =	rddreg [dreg:$0x2];
	s15 =	sor.u32 $0x4, s8;
	s9 =	smul.u32 $0xA000, s14  }
0x9: {  	[smem:$0x7FF] =	sst s3;
	s10 =	smul.u32 $0xA000, s15  }
0xa: {  	s20 =	sadd.s32 $0x15600, s6;
	s16 =	ssub.s32 $0x2, s4;
	s29 =	smul.u32 $0x2800, s12  }
0xb: {  	_ =	strace $0x80000047;
	s19 =	sshrl.u32 s16, $0x1;
	s31 =	smul.u32 $0x2800, s13  }
0xc: {  	s22 =	sshrl.u32 s17, $0x2;
	s17 =	sor.u32 $0x6, s8;
	s15 =	smul.u32 $0x2800, s15  }
0xd: {  	s5 =	sadd.s32 s7, s5;
	s4 =	sadd.s32 s22, s2;
	s26 =	smul.u32 $0xA000, s17  }
0xe: {  	s5 =	sshrl.u32 s5, $0x3;
	s7 =	sshrl.u32 s24, $0x2;
	s25 =	sshrl.u32 s9, $0x2  }
0xf: {  	s10 =	sshrl.u32 s10, $0x2;
	s24 =	smul.u32 $0x14000, s0;
	s15 =	sadd.s32 s18, s15  }
0x10: {  	s21 =	sadd.s32 s5, s6;
	s5 =	ssub.s32 s16, s19;
	s6 =	sshrl.u32 s23, $0x2  }
0x11: {  	s16 =	sor.u32 $0x5, s8;
	s8 =	sadd.s32 s25, s2;
	s25 =	smul.u32 $0x2800, s14  }
0x12: {  	s7 =	sadd.s32 s7, s2;
	s19 =	sshllo.u32 s0, $0x3;
	s11 =	smul.u32 $0xA000, s16  }
0x13: {  	s23 =	sshrl.u32 s26, $0x2;
	s9 =	sadd.s32 s10, s2;
	s22 =	smul.u32 $0xA000, s19  }
0x14: {  	s28 =	sadd.s32 s18, s24;
	s24 =	sadd.s32 s18, s29;
	s29 =	smul.u32 $0x2800, s16  }
0x15: {  	s5 =	smax.u32 s5, $0x1;
	s6 =	sadd.s32 s6, s2;
	s19 =	smul.u32 $0x2800, s19  }
0x16: {  	s21 =	sadd.s32 $0x1A00, s21;
	s30 =	sshrl.u32 s28, $0x3;
	s26 =	sshrl.u32 s24, $0x3  }
0x17: {  	s28 =	sadd.s32 s18, s31;
	s31 =	smul.u32 $0x2800, s17;
	s24 =	simm.s32 $0x50  }
0x18: {  	s11 =	sshrl.u32 s11, $0x2;
	s22 =	sshrl.u32 s22, $0x2;
	s13 =	sadd.s32 s20, s30  }
0x19: {  	s14 =	sadd.s32 s20, s26;
	s30 =	sadd.s32 s18, s25;
	s25 =	sshrl.u32 s15, $0x3  }
0x1a: {  	s26 =	sadd.s32 s18, s29;
	s10 =	sadd.s32 s11, s2;
	s11 =	sadd.s32 s23, s2  }
0x1b: {  	s12 =	sadd.s32 s22, s2;
	s22 =	sshrl.u32 s28, $0x3;
	s16 =	sshrl.u32 s30, $0x3  }
0x1c: {  	s17 =	sadd.s32 s20, s25;
	s28 =	sadd.s32 s18, s31;
	s18 =	sadd.s32 s18, s19  }
0x1d: {  	s29 =	sshrl.u32 s26, $0x3;
	s23 =	simm.s32 $0x1;
	s25 =	simm.s32 $0x80  }
0x1e: {  	s26 =	simm.s32 $0x0;
	s15 =	sadd.s32 s20, s22;
	s16 =	sadd.s32 s20, s16  }
0x1f: {  	s30 =	sshrl.u32 s28, $0x3;
	s31 =	sshrl.u32 s18, $0x3;
	s18 =	sadd.s32 s20, s29  }
0x20: {  	v0 =	vimm.f32 $1.000000000e+00;
	v1 =	vimm.f32 $0.0e+00;
	s22 =	simm.s32 $0x2880;
	s19 =	sadd.s32 s20, s30;
	s20 =	sadd.s32 s20, s31  }
.LBB2_1:
0x21: {  	s28 =	simm.s32 $0x200;
	s29 =	simm.s32 $0x0  }
.LBB2_2:
0x22: {  	p0 =	sne.s32 s28, $0x9E00;
	[tilespmem:s29+$0x80] =	vst v0;
	s30 =	smov.u32 s28;
	s28 =	sadd.s32 $0x200, s28  }
.Ltmp0:
0x23: {  	[tilespmem:s29+$0x2880] =	vst v1;
	(pc) =	sbr.rel @p0 .LBB2_2-.Ltmp0, $2  }
0x24: {  	_ =	sdelay $0x2  }
0x25: {  	s29 =	sshra.s32 s30, $0x2  }
0x26: {  	[tilespmem:s29+$0x80] =	vst v0  }
0x27: {  	[tilespmem:s29+$0x2880] =	vst v1  }
0x28: {  	[spmem:s4] =	stream.linear.scatter [tilespmem:s22], [sflag:$0x1], $0x2800, $0x38;
	[tilespmem:$0x7880] =	vst v63  }
0x29: {  	_ =	swait.ge [sflag:s23], $0x2800  }
0x2a: {  	[sflag:s23] =	ssyncset.done $0x0  }
0x2b: {  	[sflag:s23] =	ssyncadd.s32 $0xFFFFD800  }
0x2c: {  	[spmem:s6] =	stream.linear.scatter [tilespmem:s22], [sflag:$0x1], $0x2800, $0x38;
	[tilespmem:$0x7880] =	vst v63  }
0x2d: {  	_ =	swait.ge [sflag:s23], $0x2800  }
0x2e: {  	[sflag:s23] =	ssyncset.done $0x0  }
0x2f: {  	[sflag:s23] =	ssyncadd.s32 $0xFFFFD800  }
0x30: {  	[spmem:s7] =	stream.linear.scatter [tilespmem:s22], [sflag:$0x1], $0x2800, $0x38;
	[tilespmem:$0x7880] =	vst v63  }
0x31: {  	_ =	swait.ge [sflag:s23], $0x2800  }
0x32: {  	[sflag:s23] =	ssyncset.done $0x0  }
0x33: {  	[sflag:s23] =	ssyncadd.s32 $0xFFFFD800  }
0x34: {  	[spmem:s8] =	stream.linear.scatter [tilespmem:s22], [sflag:$0x1], $0x2800, $0x38;
	[tilespmem:$0x7880] =	vst v63  }
0x35: {  	_ =	swait.ge [sflag:s23], $0x2800  }
0x36: {  	[sflag:s23] =	ssyncset.done $0x0  }
0x37: {  	[sflag:s23] =	ssyncadd.s32 $0xFFFFD800  }
0x38: {  	[spmem:s9] =	stream.linear.scatter [tilespmem:s22], [sflag:$0x1], $0x2800, $0x38;
	[tilespmem:$0x7880] =	vst v63  }
0x39: {  	_ =	swait.ge [sflag:s23], $0x2800  }
0x3a: {  	[sflag:s23] =	ssyncset.done $0x0  }
0x3b: {  	[sflag:s23] =	ssyncadd.s32 $0xFFFFD800  }
0x3c: {  	[spmem:s10] =	stream.linear.scatter [tilespmem:s22], [sflag:$0x1], $0x2800, $0x38;
	[tilespmem:$0x7880] =	vst v63  }
0x3d: {  	_ =	swait.ge [sflag:s23], $0x2800  }
0x3e: {  	[sflag:s23] =	ssyncset.done $0x0  }
0x3f: {  	[sflag:s23] =	ssyncadd.s32 $0xFFFFD800  }
0x40: {  	[spmem:s11] =	stream.linear.scatter [tilespmem:s22], [sflag:$0x1], $0x2800, $0x38;
	[tilespmem:$0x7880] =	vst v63  }
0x41: {  	_ =	swait.ge [sflag:s23], $0x2800  }
0x42: {  	[sflag:s23] =	ssyncset.done $0x0  }
0x43: {  	[sflag:s23] =	ssyncadd.s32 $0xFFFFD800  }
0x44: {  	[spmem:s12] =	stream.linear.scatter [tilespmem:s22], [sflag:$0x1], $0x2800, $0x38;
	[tilespmem:$0x7880] =	vst v63  }
0x45: {  	_ =	swait.ge [sflag:s23], $0x2800  }
0x46: {  	[sflag:s23] =	ssyncset.done $0x0  }
0x47: {  	[sflag:s23] =	ssyncadd.s32 $0xFFFFD800  }
0x48: {  	s28 =	sadd.s32 $0x0, s21;
	[bflag:$0x0] =	sbarrier.arrive $0xFFFF  }
0x49: {  	[tilespmem:s3], [sflag:$0x1] =	stream.linear.gather [hbm4b:s28+s3], $0x50, $0x38;
	[tilespmem:$0x7880] =	vst v63  }
0x4a: {  	_ =	swait.ge [sflag:s23], $0x50  }
0x4b: {  	[sflag:s23] =	ssyncset.done $0x0  }
0x4c: {  	[sflag:s23] =	ssyncadd.s32 $0xFFFFFFB0  }
0x4d: {  	[spmem:s2] =	stream.indirect.scatter.add.f32 [tilespmem:s25], [sflag:$0x1], $0x10, s3, s24, $0xb8;
	[tilespmem:$0x7880] =	vst v63  }
0x4e: {  	_ =	swait.ge [sflag:s23], $0x500  }
0x4f: {  	s29 =	simm.s32 $0x14;
	s28 =	simm.s32 $0xA;
	[sflag:s23] =	ssyncset.done $0x0  }
.LBB2_4:
0x50: {  	s30 =	sadd.s32 s28, s21  }
0x51: {  	[sflag:s23] =	ssyncadd.s32 $0xFFFFFB00;
	s28 =	smov.u32 s29;
	s31 =	sadd.s32 $0xA, s29  }
0x52: {  	[tilespmem:s3], [sflag:$0x1] =	stream.linear.gather [hbm4b:s30+s3], $0x50, $0x38;
	[tilespmem:$0x7880] =	vst v63  }
0x53: {  	p0 =	sne.s32 s29, $0x4D8;
	_ =	swait.ge [sflag:s23], $0x50  }
.Ltmp1:
0x54: {  	[sflag:s23] =	ssyncset.done $0x0;
	(pc) =	sbr.rel @p0 .LBB2_4-.Ltmp1, $4  }
0x55: {  	[sflag:s23] =	ssyncadd.s32 $0xFFFFFFB0  }
0x56: {  	[spmem:s2] =	stream.indirect.scatter.add.f32 [tilespmem:s25], [sflag:$0x1], $0x10, s3, s24, $0xb8;
	[tilespmem:$0x7880] =	vst v63  }
0x57: {  	_ =	swait.ge [sflag:s23], $0x500  }
0x58: {  	s29 =	smov.u32 s31;
	[sflag:s23] =	ssyncset.done $0x0  }
0x59: {  	s28 =	sadd.s32 s28, s21;
	[sflag:s23] =	ssyncadd.s32 $0xFFFFFB00  }
0x5a: {  	[tilespmem:s3], [sflag:$0x1] =	stream.linear.gather [hbm4b:s28+s3], $0x50, $0x38;
	[tilespmem:$0x7880] =	vst v63  }
0x5b: {  	_ =	swait.ge [sflag:s23], $0x50  }
0x5c: {  	[sflag:s23] =	ssyncset.done $0x0  }
0x5d: {  	[sflag:s23] =	ssyncadd.s32 $0xFFFFFFB0  }
0x5e: {  	[spmem:s2] =	stream.indirect.scatter.add.f32 [tilespmem:s25], [sflag:$0x1], $0x10, s3, s24, $0xb8;
	[tilespmem:$0x7880] =	vst v63  }
0x5f: {  	_ =	swait.ge [sflag:s23], $0x500  }
0x60: {  	[sflag:s23] =	ssyncset.done $0x0  }
0x61: {  	[sflag:s23] =	ssyncadd.s32 $0xFFFFFB00  }
0x62: {  	[bflag:$0x0] =	sbarrier.arrive $0xFFFF  }
0x63: {  	[tilespmem:s25], [sflag:$0x1] =	stream.linear.gather [spmem:s4], $0x2800, $0x38;
	[tilespmem:$0x7880] =	vst v63  }
0x64: {  	_ =	swait.ge [sflag:s23], $0x2800  }
0x65: {  	[sflag:s23] =	ssyncset.done $0x0  }
0x66: {  	[sflag:s23] =	ssyncadd.s32 $0xFFFFD800  }
0x67: {  	[hbm4b:s13+s3] =	stream.linear.scatter [tilespmem:s25], [sflag:$0x1], $0x2800, $0x38;
	[tilespmem:$0x7880] =	vst v63  }
0x68: {  	_ =	swait.ge [sflag:s23], $0x2800  }
0x69: {  	[sflag:s23] =	ssyncset.done $0x0  }
0x6a: {  	[sflag:s23] =	ssyncadd.s32 $0xFFFFD800  }
0x6b: {  	[tilespmem:s25], [sflag:$0x1] =	stream.linear.gather [spmem:s6], $0x2800, $0x38;
	[tilespmem:$0x7880] =	vst v63  }
0x6c: {  	_ =	swait.ge [sflag:s23], $0x2800  }
0x6d: {  	[sflag:s23] =	ssyncset.done $0x0  }
0x6e: {  	[sflag:s23] =	ssyncadd.s32 $0xFFFFD800  }
0x6f: {  	[hbm4b:s14+s3] =	stream.linear.scatter [tilespmem:s25], [sflag:$0x1], $0x2800, $0x38;
	[tilespmem:$0x7880] =	vst v63  }
0x70: {  	_ =	swait.ge [sflag:s23], $0x2800  }
0x71: {  	[sflag:s23] =	ssyncset.done $0x0  }
0x72: {  	[sflag:s23] =	ssyncadd.s32 $0xFFFFD800  }
0x73: {  	[tilespmem:s25], [sflag:$0x1] =	stream.linear.gather [spmem:s7], $0x2800, $0x38;
	[tilespmem:$0x7880] =	vst v63  }
0x74: {  	_ =	swait.ge [sflag:s23], $0x2800  }
0x75: {  	[sflag:s23] =	ssyncset.done $0x0  }
0x76: {  	[sflag:s23] =	ssyncadd.s32 $0xFFFFD800  }
0x77: {  	[hbm4b:s15+s3] =	stream.linear.scatter [tilespmem:s25], [sflag:$0x1], $0x2800, $0x38;
	[tilespmem:$0x7880] =	vst v63  }
0x78: {  	_ =	swait.ge [sflag:s23], $0x2800  }
0x79: {  	[sflag:s23] =	ssyncset.done $0x0  }
0x7a: {  	[sflag:s23] =	ssyncadd.s32 $0xFFFFD800  }
0x7b: {  	[tilespmem:s25], [sflag:$0x1] =	stream.linear.gather [spmem:s8], $0x2800, $0x38;
	[tilespmem:$0x7880] =	vst v63  }
0x7c: {  	_ =	swait.ge [sflag:s23], $0x2800  }
0x7d: {  	[sflag:s23] =	ssyncset.done $0x0  }
0x7e: {  	[sflag:s23] =	ssyncadd.s32 $0xFFFFD800  }
0x7f: {  	[hbm4b:s16+s3] =	stream.linear.scatter [tilespmem:s25], [sflag:$0x1], $0x2800, $0x38;
	[tilespmem:$0x7880] =	vst v63  }
0x80: {  	_ =	swait.ge [sflag:s23], $0x2800  }
0x81: {  	[sflag:s23] =	ssyncset.done $0x0  }
0x82: {  	[sflag:s23] =	ssyncadd.s32 $0xFFFFD800  }
0x83: {  	[tilespmem:s25], [sflag:$0x1] =	stream.linear.gather [spmem:s9], $0x2800, $0x38;
	[tilespmem:$0x7880] =	vst v63  }
0x84: {  	_ =	swait.ge [sflag:s23], $0x2800  }
0x85: {  	[sflag:s23] =	ssyncset.done $0x0  }
0x86: {  	[sflag:s23] =	ssyncadd.s32 $0xFFFFD800  }
0x87: {  	[hbm4b:s17+s3] =	stream.linear.scatter [tilespmem:s25], [sflag:$0x1], $0x2800, $0x38;
	[tilespmem:$0x7880] =	vst v63  }
0x88: {  	_ =	swait.ge [sflag:s23], $0x2800  }
0x89: {  	[sflag:s23] =	ssyncset.done $0x0  }
0x8a: {  	[sflag:s23] =	ssyncadd.s32 $0xFFFFD800  }
0x8b: {  	[tilespmem:s25], [sflag:$0x1] =	stream.linear.gather [spmem:s10], $0x2800, $0x38;
	[tilespmem:$0x7880] =	vst v63  }
0x8c: {  	_ =	swait.ge [sflag:s23], $0x2800  }
0x8d: {  	[sflag:s23] =	ssyncset.done $0x0  }
0x8e: {  	[sflag:s23] =	ssyncadd.s32 $0xFFFFD800  }
0x8f: {  	[hbm4b:s18+s3] =	stream.linear.scatter [tilespmem:s25], [sflag:$0x1], $0x2800, $0x38;
	[tilespmem:$0x7880] =	vst v63  }
0x90: {  	_ =	swait.ge [sflag:s23], $0x2800  }
0x91: {  	[sflag:s23] =	ssyncset.done $0x0  }
0x92: {  	[sflag:s23] =	ssyncadd.s32 $0xFFFFD800  }
0x93: {  	[tilespmem:s25], [sflag:$0x1] =	stream.linear.gather [spmem:s11], $0x2800, $0x38;
	[tilespmem:$0x7880] =	vst v63  }
0x94: {  	_ =	swait.ge [sflag:s23], $0x2800  }
0x95: {  	[sflag:s23] =	ssyncset.done $0x0  }
0x96: {  	[sflag:s23] =	ssyncadd.s32 $0xFFFFD800  }
0x97: {  	[hbm4b:s19+s3] =	stream.linear.scatter [tilespmem:s25], [sflag:$0x1], $0x2800, $0x38;
	[tilespmem:$0x7880] =	vst v63  }
0x98: {  	_ =	swait.ge [sflag:s23], $0x2800  }
0x99: {  	[sflag:s23] =	ssyncset.done $0x0  }
0x9a: {  	[sflag:s23] =	ssyncadd.s32 $0xFFFFD800  }
0x9b: {  	[tilespmem:s25], [sflag:$0x1] =	stream.linear.gather [spmem:s12], $0x2800, $0x38;
	[tilespmem:$0x7880] =	vst v63  }
0x9c: {  	s26 =	sadd.s32 $0x1, s26;
	_ =	swait.ge [sflag:s23], $0x2800  }
0x9d: {  	p0 =	sne.s32 s26, s5;
	[sflag:s23] =	ssyncset.done $0x0  }
.Ltmp2:
0x9e: {  	[sflag:s23] =	ssyncadd.s32 $0xFFFFD800;
	(pc) =	sbr.rel @p0 .LBB2_1-.Ltmp2, $4  }
0x9f: {  	[hbm4b:s20+s3] =	stream.linear.scatter [tilespmem:s25], [sflag:$0x1], $0x2800, $0x38;
	[tilespmem:$0x7880] =	vst v63  }
0xa0: {  	_ =	swait.ge [sflag:s23], $0x2800  }
0xa1: {  	[sflag:s23] =	ssyncset.done $0x0  }
0xa2: {  	[sflag:s23] =	ssyncadd.s32 $0xFFFFD800  }
0xa3: {  	_ =	sfence.sel $0x180000  }
0xa4: {  	[bflag:$0x0] =	sbarrier.arrive $0xFFFF  }
0xa5: {  	p0 =	sne.s32 s0, $0x0;
	_ =	strace $0x90000047  }
0xa6: {  	s0 =	sadd.s32 @!p0 $0x100000, s1;
	[bflag:$0x2] =	sbarrier.arrive $0xFFFF  }
0xa7: {  	[sflag:s0] =	ssyncadd.tile.s32 @!p0 $0x1;
	_ =	shalt  }
.Lfunc_end2:
_tile_overlayer_lowered:
.L_overlay_start_2:
0xa8: {  	(tag) =	ssettag $0x2  }
0xa9: {  	s0 =	rddreg [dreg:$0x0];
	s2 =	stileid.u32  }
0xaa: {  	s1 =	rddreg [dreg:$0x1];
	p0 =	sne.s32 s2, $0x0  }
0xab: {  	s3 =	rddreg [dreg:$0x2];
	[bflag:$0x3] =	sbarrier.arrive $0xFFFF;
	s2 =	simm.s32 @!p0 $0x1C01  }
0xac: {  	[timem:s3], [sflag:s2] =	dma.local @!p0 [hbm:s0], s1  }
0xad: {  	s0 =	simm.s32 @!p0 $0x1  }
0xae: {  	_ =	swait.ge @!p0 [sflag:s0], s1  }
0xaf: {  	s1 =	ssub.s32 @!p0 $0x0, s1;
	[sflag:s0] =	ssyncset.done @!p0 $0x0  }
0xb0: {  	[sflag:s0] =	ssyncadd.s32 @!p0 s1  }
0xb1: {  	[bflag:$0x3] =	sbarrier.arrive $0xFFFF  }
0xb2: {  	_ =	shalt  }

// kernel: kernel.9.cloned.1.call-start
scs
__scs_entry_jumppad:
0x0: {  	(pc) =	sbr.rel $0x88, $3  }
0x1: {  	(tag) =	ssettag $0x0;
	lr =	simm.s32 $0x1  }
0x2: {  	[smem:$0x3F9C] =	sst lr;
	_ =	strace $0xD0000000  }
0x3: {  	_ = 	snop  }
0x4: {  	_ = 	snop  }
0x5: {  	_ = 	snop  }
0x6: {  	_ = 	snop  }
0x7: {  	_ = 	snop  }
__scs_overlays_trampoline_lowered:
0x8: {  	[smem:$0x3FAB] =	sst s0  }
0x9: {  	[smem:$0x3FAC] =	sst s1  }
0xa: {  	[smem:$0x3FAD] =	sst s2  }
0xb: {  	[smem:$0x3FAE] =	sst s3  }
0xc: {  	[smem:$0x3FAF] =	sst s4  }
0xd: {  	[smem:$0x3FB0] =	sst s5  }
0xe: {  	[smem:$0x3FB1] =	sst s6  }
0xf: {  	[smem:$0x3FB2] =	sst s7  }
0x10: {  	[smem:$0x3FB3] =	sst s8  }
0x11: {  	[smem:$0x3FB4] =	sst s9;
	s0 =	simm.s32 @!p0 $0x0  }
0x12: {  	s1 =	sld [smem:$0x3F9A];
	s0 =	simm.s32 @p0 $0x1  }
0x13: {  	[smem:$0x3FB5] =	sst s0;
	s0 =	simm.s32 @!p1 $0x0  }
0x14: {  	s2 =	sld [smem:$0x3F99];
	s0 =	simm.s32 @p1 $0x1  }
0x15: {  	[smem:$0x3FB6] =	sst s0;
	s0 =	simm.s32 @!p2 $0x0  }
0x16: {  	s3 =	sld [smem:$0x3FDB];
	s0 =	simm.s32 @p2 $0x1  }
0x17: {  	s4 =	simm.s32 $0x1BF5;
	[smem:$0x3FB8] =	sst s0  }
0x18: {  	s0 =	sld [smem:$0x3F9B];
	_ =	swait.ge [sflag:s4], $0x0  }
0x19: {  	s7 =	sld [smem:$0x3F9C]  }
0x1a: {  	s8 =	sadd.s32 $0xFFFFE003, lr  }
0x1b: {  	s9 =	sadd.s32 $0xFFFFFEF7, lr;
	s5 =	simm.s32 $0xFFFFFFFF;
	p2 =	slt.u32 s8, $0xFFFFF086  }
0x1c: {  	p1 =	slt.u32 s9, $0xF7A;
	s5 =	simm.s32 @!p2 $0x0  }
0x1d: {  	s5 =	simm.s32 @p1 $0x1;
	p0 =	seq.s32 s7, s2  }
0x1e: {  	s7 =	smul.u32 @!p0 $0xF7A, s2;
	p2 =	seq.s32 @!p0 s5, $0x0  }
0x1f: {  	s9 =	smul.u32 $0xF7A, s1;
	s8 =	simm.s32 @!p0 $0x1BF5;
	p2 =	por !p2, p0  }
0x20: {  	[sflag:s8] =	ssyncset.s32 @!p0 $0xFFFFF086;
	s6 =	sadd.s32 @!p0 s3, s7;
	s7 =	simm.s32 @!p0 $0x108  }
0x21: {  	s3 =	sadd.s32 s3, s9;
	s6 =	sadd.s32 @!p0 $0x88, s6;
	s7 =	simm.s32 @p2 $0x1082  }
0x22: {  	[simem:s7], [sflag:s8] =	dma.local @!p0 [hbm:s6], $0xF7A  }
0x23: {  	s9 =	sor.u32 $0xD0000000, s2;
	s6 =	simm.s32 $0x108;
	_ =	swait.ge @!p0 [sflag:s8], $0x0  }
0x24: {  	s3 =	sadd.s32 $0x88, s3;
	s6 =	simm.s32 @!p1 $0x1082;
	[sflag:s4] =	ssyncset.s32 $0xFFFFF086  }
0x25: {  	[simem:s6], [sflag:s4] =	dma.local [hbm:s3], $0xF7A  }
0x26: {  	[smem:$0x3F9C] =	sst s1;
	(tag) =	ssettag s2;
	_ =	strace s9  }
0x27: {  	s1 =	sld [smem:$0x3FAC]  }
0x28: {  	s2 =	sld [smem:$0x3FAD]  }
0x29: {  	s4 =	sld [smem:$0x3FAF]  }
0x2a: {  	p0 =	seq.s32 s5, $0x0;
	s5 =	sld [smem:$0x3FB0]  }
0x2b: {  	s6 =	sld [smem:$0x3FB1]  }
0x2c: {  	s7 =	sld [smem:$0x3FB2]  }
0x2d: {  	s3 =	simm.s32 $0x108;
	s8 =	sld [smem:$0x3FB3]  }
0x2e: {  	s3 =	simm.s32 @!p0 $0x1082;
	s9 =	sld [smem:$0x3FB4]  }
0x2f: {  	lr =	sadd.s32 s0, s3;
	s0 =	sld [smem:$0x3FAB]  }
0x30: {  	s3 =	sld [smem:$0x3FAE]  }
0x31: {  	[smem:$0x3FB7] =	sst s10  }
0x32: {  	s10 =	sld [smem:$0x3FB5];
	_ =	sdelay $0x3  }
0x33: {  	p0 =	seq.s32 s10, $0x1;
	s10 =	sld [smem:$0x3FB7];
	_ =	sdelay $0x3  }
0x34: {  	[smem:$0x3FB7] =	sst s10  }
0x35: {  	s10 =	sld [smem:$0x3FB6];
	_ =	sdelay $0x3  }
0x36: {  	p1 =	seq.s32 s10, $0x1;
	s10 =	sld [smem:$0x3FB7];
	_ =	sdelay $0x3  }
0x37: {  	[smem:$0x3FB7] =	sst s10  }
0x38: {  	s10 =	sld [smem:$0x3FB8]  }
0x39: {  	_ = 	snop;
	(pc) =	sbr.ind lr, $3  }
0x3a: {  	_ = 	snop  }
0x3b: {  	_ = 	snop  }
0x3c: {  	p2 =	seq.s32 s10, $0x1;
	s10 =	sld [smem:$0x3FB7]  }
0x3d: {  	_ =	shalt  }
0x3e: {  	_ =	shalt  }
0x3f: {  	_ =	shalt  }
0x40: {  	_ =	shalt  }
0x41: {  	_ =	shalt  }
0x42: {  	_ =	shalt  }
0x43: {  	_ =	shalt  }
0x44: {  	_ =	shalt  }
0x45: {  	_ =	shalt  }
0x46: {  	_ =	shalt  }
0x47: {  	_ =	shalt  }
0x48: {  	_ =	shalt  }
0x49: {  	_ =	shalt  }
0x4a: {  	_ =	shalt  }
0x4b: {  	_ =	shalt  }
0x4c: {  	_ =	shalt  }
0x4d: {  	_ =	shalt  }
0x4e: {  	_ =	shalt  }
0x4f: {  	_ =	shalt  }
0x50: {  	_ =	shalt  }
0x51: {  	_ =	shalt  }
0x52: {  	_ =	shalt  }
0x53: {  	_ =	shalt  }
0x54: {  	_ =	shalt  }
0x55: {  	_ =	shalt  }
0x56: {  	_ =	shalt  }
0x57: {  	_ =	shalt  }
0x58: {  	_ =	shalt  }
0x59: {  	_ =	shalt  }
0x5a: {  	_ =	shalt  }
0x5b: {  	_ =	shalt  }
0x5c: {  	_ =	shalt  }
0x5d: {  	_ =	shalt  }
0x5e: {  	_ =	shalt  }
0x5f: {  	_ =	shalt  }
0x60: {  	_ =	shalt  }
0x61: {  	_ =	shalt  }
0x62: {  	_ =	shalt  }
0x63: {  	_ =	shalt  }
0x64: {  	_ =	shalt  }
0x65: {  	_ =	shalt  }
0x66: {  	_ =	shalt  }
0x67: {  	_ =	shalt  }
0x68: {  	_ =	shalt  }
0x69: {  	_ =	shalt  }
0x6a: {  	_ =	shalt  }
0x6b: {  	_ =	shalt  }
0x6c: {  	_ =	shalt  }
0x6d: {  	_ =	shalt  }
0x6e: {  	_ =	shalt  }
0x6f: {  	_ =	shalt  }
0x70: {  	_ =	shalt  }
0x71: {  	_ =	shalt  }
0x72: {  	_ =	shalt  }
0x73: {  	_ =	shalt  }
0x74: {  	_ =	shalt  }
0x75: {  	_ =	shalt  }
0x76: {  	_ =	shalt  }
0x77: {  	_ =	shalt  }
0x78: {  	_ =	shalt  }
0x79: {  	_ =	shalt  }
0x7a: {  	_ =	shalt  }
0x7b: {  	_ =	shalt  }
0x7c: {  	_ =	shalt  }
0x7d: {  	_ =	shalt  }
0x7e: {  	_ =	shalt  }
0x7f: {  	_ =	shalt  }
0x80: {  	_ =	shalt  }
0x81: {  	_ =	shalt  }
0x82: {  	_ =	shalt  }
0x83: {  	_ =	shalt  }
0x84: {  	_ =	shalt  }
0x85: {  	_ =	shalt  }
0x86: {  	_ =	shalt  }
0x87: {  	_ =	shalt  }
.Lfunc_end0:
.L_simem_size_0:
called_computation.1_lowered:
.L_overlay_start_0:
0x88: {  	s2 =	sld [smem:$0x3FD9]  }
0x89: {  	s3 =	sld [smem:$0x3FFE];
	_ =	sdelay $0x1  }
0x8a: {  	s1 =	srdreg.scid  }
0x8b: {  	s0 =	sand.u32 $0x1, s1  }
0x8c: {  	s17 =	sshll.u32 s0, $0xA;
	s2 =	sadd.s32 s3, s2  }
0x8d: {  	s2 =	sadd.s32 s2, s17  }
0x8e: {  	[smem:$0x3FC3] =	sst s2  }
0x8f: {  	_ = 	snop  }
0x90: {  	s2 =	sld [smem:$0x3FD0];
	(tm) =	ssettm $0x1  }
0x91: {  	s18 =	sld [smem:$0x3FFB];
	_ =	sdelay $0x3  }
0x92: {  	_ =	strace s18  }
0x93: {  	s3 =	sld [smem:$0x3FFC];
	_ =	sdelay $0x3  }
0x94: {  	_ =	strace s3  }
0x95: {  	s3 =	sld [smem:$0x3FFD];
	_ =	sdelay $0x3  }
0x96: {  	_ =	strace s3  }
0x97: {  	_ =	strace $0x8FFFFFFF  }
0x98: {  	s19 =	sld [smem:$0x3FDB];
	_ =	sdelay $0x1  }
0x99: {  	s4 =	simm.s32 $_scs_section_size  }
0x9a: {  	s5 =	simm.s32 $_size__tile_overlayer_lowered;
	s6 =	simm.s32 $_tile_overlayer_lowered  }
0x9b: {  	s22 =	simm.s32 $0x1BFF;
	s21 =	sshll.u32 s6, $0x1;
	s3 =	sadd.s32 s4, s19  }
0x9c: {  	s7 =	simm.s32 $0x0;
	s20 =	sshll.u32 s5, $0x1;
	s5 =	sadd.s32 s21, s3  }
0x9d: {  	[timem:s7], [sflag:s22] =	dma.local [hbm:s5], s20  }
0x9e: {  	_ =	swait.ge [sflag:s22], s20  }
0x9f: {  	s4 =	ssub.s32 $0x0, s20;
	[sflag:s22] =	ssyncset.done $0x0  }
0xa0: {  	[sflag:s22] =	ssyncadd.s32 s4;
	_ =	sdelay $0x1  }
0xa1: {  	s23 =	simm.s32 $0x1B8B  }
0xa2: {  	_ =	swait.ge [sflag:s23], $0x1  }
0xa3: {  	[sflag:s23] =	ssyncset.done $0x0  }
0xa4: {  	s25 =	simm.s32 $0x1B8E;
	s24 =	sld [smem:$0x3FFE];
	[sflag:s23] =	ssyncadd.s32 $0xFFFFFFFF  }
0xa5: {  	s26 =	simm.s32 $execute0_lowered;
	[smem:$0x3FD2] =	sst s25  }
0xa6: {  	s5 =	sshll.u32 s26, $0x1;
	_ =	strace $0x80000049;
	[dreg:$0x1] =	wrdreg $0xFFFFFFFF  }
0xa7: {  	s28 =	simm.s32 $_size_execute0_lowered;
	s3 =	sadd.s32 s3, s5;
	[dreg:$0x0] =	wrdreg $0x0  }
0xa8: {  	s5 =	sshll.u32 s28, $0x1;
	[dreg:$0x2] =	wrdreg s3  }
0xa9: {  	[dreg:$0x3] =	wrdreg s5  }
0xaa: {  	[dreg:$0x4] =	wrdreg $0xC0  }
0xab: {  	_ =	task [dreg:s7], $0x5FFFF  }
0xac: {  	[dreg:$0x1] =	wrdreg $0xFFFFFFFF  }
0xad: {  	[dreg:$0x0] =	wrdreg $0x60  }
0xae: {  	[dreg:$0x2] =	wrdreg s24  }
0xaf: {  	[dreg:$0x3] =	wrdreg s2  }
0xb0: {  	[dreg:$0x4] =	wrdreg $0x29000  }
0xb1: {  	[dreg:$0x5] =	wrdreg $0x9  }
0xb2: {  	_ =	task.clear_ibuf [dreg:s7], $0x6FFFF;
	_ =	strace $0x90000049  }
0xb3: {  	s29 =	simm.s32 $0x9;
	_ =	strace $0x8000004B  }
0xb4: {  	_ =	swait.ge [sflag:s29], $0x1  }
0xb5: {  	[sflag:s29] =	ssyncadd.s32 $0xFFFFFFFF  }
0xb6: {  	_ =	strace $0x9000004B  }
0xb7: {  	_ =	sfence  }
0xb8: {  	s30 =	sld [smem:$0x0];
	_ =	sdelay $0x2  }
0xb9: {  	s31 =	sshll.u32 s1, $0xD;
	s1 =	sshrl.u32 s1, $0x2  }
0xba: {  	s3 =	sand.u32 $0x4000, s31;
	s1 =	sadd.s32 s1, s30  }
0xbb: {  	s0 =	sor.u32 s3, s0;
	s1 =	sshll.u32 s1, $0x11  }
0xbc: {  	s0 =	sor.u32 s1, s0  }
0xbd: {  	s0 =	sadd.s32 $0x8F2B, s0  }
0xbe: {  	[sflag:s0] =	ssyncadd.remote.s32 $0x1  }
0xbf: {  	_ =	sfence.sel $0xFFFF  }
0xc0: {  	[dreg:$0x0] =	wrdreg $0xFFFFFFFF;
	(pc) =	sbr.abs _section_cstart, $3  }
0xc1: {  	[dreg:$0x1] =	wrdreg $0xFFFFFFFF  }
0xc2: {  	_ =	task.clear_ibuf [dreg:s7], $0x2FFFF;
	_ =	strace $0x9FFFFFFF  }
0xc3: {  	(tm) =	ssettm $0x7FFFFFFF  }
tec
execute0_lowered:
.L_overlay_start_1:
0x0: {  	(tag) =	ssettag $0x1  }
0x1: {  	s1 =	rddreg [dreg:$0x0];
	s3 =	srdreg.scid  }
0x2: {  	s0 =	stileid.u32;
	s2 =	rddreg [dreg:$0x1]  }
0x3: {  	s4 =	simm.s32 $0x0;
	s28 =	simm.s32 $0x50;
	s29 =	simm.s32 $0x1  }
0x4: {  	s5 =	sand.u32 $0x1, s3;
	s6 =	smul.u32 $0x4E20, s0;
	s3 =	rddreg [dreg:$0x2]  }
0x5: {  	s30 =	simm.s32 $0x0;
	[smem:$0x7FF] =	sst s4;
	s8 =	smul.u32 $0x50000, s0  }
0x6: {  	s21 =	sadd.s32 $0x15600, s1;
	s7 =	smul.u32 $0x2710, s5;
	s13 =	ssub.s32 $0x2, s5  }
0x7: {  	s9 =	sshll.u32 s0, $0x3;
	s19 =	smul.u32 $0x140000, s5;
	s14 =	sshrl.u32 s13, $0x1  }
0x8: {  	s16 =	sshrl.u32 s8, $0x2;
	s15 =	ssub.s32 s13, s14;
	s13 =	sor.u32 $0x1, s9  }
0x9: {  	s6 =	sadd.s32 s7, s6;
	s14 =	sor.u32 $0x2, s9;
	s17 =	smul.u32 $0xA000, s13  }
0xa: {  	s5 =	sadd.s32 s16, s3;
	s16 =	sor.u32 $0x4, s9;
	s18 =	smul.u32 $0xA000, s14  }
0xb: {  	_ =	strace $0x8000004A;
	s6 =	sshrl.u32 s6, $0x3;
	s11 =	smul.u32 $0xA000, s16  }
0xc: {  	s31 =	smul.u32 $0x2800, s13;
	s23 =	sadd.s32 s6, s1;
	s1 =	smax.u32 s15, $0x1  }
0xd: {  	s15 =	sor.u32 $0x3, s9;
	s6 =	smul.u32 $0x2800, s14;
	[dreg:$0x4] =	wrdreg s1  }
0xe: {  	s7 =	sshrl.u32 s17, $0x2;
	s10 =	smul.u32 $0xA000, s15;
	s1 =	sshrl.u32 s18, $0x2  }
0xf: {  	s17 =	sor.u32 $0x5, s9;
	s22 =	sshrl.u32 s11, $0x2;
	s18 =	sor.u32 $0x6, s9  }
0x10: {  	s7 =	sadd.s32 s7, s3;
	s8 =	sadd.s32 s1, s3;
	s24 =	smul.u32 $0xA000, s17  }
0x11: {  	s25 =	smul.u32 $0xA000, s18;
	s20 =	sshrl.u32 s10, $0x2;
	s10 =	sadd.s32 s22, s3  }
0x12: {  	s22 =	smul.u32 $0x14000, s0;
	s9 =	sadd.s32 s20, s3;
	s11 =	sshrl.u32 s24, $0x2  }
0x13: {  	s20 =	sshllo.u32 s0, $0x3;
	s1 =	sshrl.u32 s25, $0x2;
	s25 =	sadd.s32 s19, s6  }
0x14: {  	s11 =	sadd.s32 s11, s3;
	s24 =	smul.u32 $0xA000, s20;
	s26 =	sadd.s32 s19, s22  }
0x15: {  	s22 =	sadd.s32 s19, s31;
	s31 =	sshrl.u32 s25, $0x3;
	s25 =	smul.u32 $0x2800, s18  }
0x16: {  	s12 =	sadd.s32 s1, s3;
	s20 =	smul.u32 $0x2800, s20;
	s1 =	sshrl.u32 s26, $0x3  }
0x17: {  	s26 =	smul.u32 $0x2800, s15;
	s0 =	sshrl.u32 s24, $0x2;
	s14 =	sadd.s32 s21, s1  }
0x18: {  	s1 =	sshrl.u32 s22, $0x3;
	s25 =	sadd.s32 s19, s25;
	s13 =	sadd.s32 s0, s3  }
0x19: {  	[dreg:$0x5] =	wrdreg s14;
	s15 =	sadd.s32 s21, s1;
	s0 =	smul.u32 $0x2800, s16  }
0x1a: {  	s6 =	sadd.s32 s19, s26;
	s14 =	smul.u32 $0x2800, s17;
	s26 =	sadd.s32 s19, s20  }
0x1b: {  	s16 =	sadd.s32 s21, s31;
	s1 =	sshrl.u32 s6, $0x3;
	s31 =	sshrl.u32 s26, $0x3  }
0x1c: {  	s26 =	simm.s32 $0x80;
	s22 =	sadd.s32 s19, s0;
	s24 =	sadd.s32 s19, s14  }
0x1d: {  	s17 =	sadd.s32 s21, s1;
	s22 =	sshrl.u32 s22, $0x3;
	s1 =	sshrl.u32 s24, $0x3  }
0x1e: {  	s24 =	simm.s32 $0x100;
	s18 =	sadd.s32 s21, s22;
	s22 =	sshrl.u32 s25, $0x3  }
0x1f: {  	s19 =	sadd.s32 s21, s1;
	s25 =	simm.s32 $0x2;
	s20 =	sadd.s32 s21, s22  }
0x20: {  	v0 =	vimm.f32 $0.0e+00;
	s21 =	sadd.s32 s21, s31;
	s22 =	sadd.s32 $0x1A00, s23;
	s23 =	sadd.s32 $0xB800, s23  }
.LBB2_1:
0x21: {  	s31 =	simm.s32 $0x0;
	s1 =	simm.s32 $0x200  }
.LBB2_2:
0x22: {  	p0 =	sne.s32 s1, $0x9E00;
	[tilespmem:s31+$0x170] =	vst v0  }
0x23: {  	[tilespmem:s31+$0x100] =	vst v0  }
0x24: {  	[tilespmem:s31+$0x110] =	vst v0  }
.Ltmp0:
0x25: {  	[tilespmem:s31+$0x120] =	vst v0;
	(pc) =	sbr.rel @p0 .LBB2_2-.Ltmp0, $4  }
0x26: {  	[tilespmem:s31+$0x130] =	vst v0  }
0x27: {  	[tilespmem:s31+$0x140] =	vst v0  }
0x28: {  	[tilespmem:s31+$0x150] =	vst v0  }
0x29: {  	[tilespmem:s31+$0x160] =	vst v0;
	s31 =	sshra.s32 s1, $0x2;
	s1 =	sadd.s32 $0x200, s1  }
0x2a: {  	[tilespmem:s31+$0x170] =	vst v0  }
0x2b: {  	[tilespmem:s31+$0x100] =	vst v0  }
0x2c: {  	[tilespmem:s31+$0x110] =	vst v0  }
0x2d: {  	[tilespmem:s31+$0x120] =	vst v0  }
0x2e: {  	[tilespmem:s31+$0x130] =	vst v0  }
0x2f: {  	[tilespmem:s31+$0x140] =	vst v0  }
0x30: {  	[tilespmem:s31+$0x150] =	vst v0  }
0x31: {  	[tilespmem:s31+$0x160] =	vst v0  }
0x32: {  	[spmem:s5] =	stream.linear.scatter [tilespmem:s24], [sflag:$0x2], $0x2800, $0x38;
	[tilespmem:$0x16900] =	vst v63  }
0x33: {  	_ =	swait.ge [sflag:s25], $0x2800  }
0x34: {  	[sflag:s25] =	ssyncset.done $0x0  }
0x35: {  	[sflag:s25] =	ssyncadd.s32 $0xFFFFD800  }
0x36: {  	[spmem:s7] =	stream.linear.scatter [tilespmem:s24], [sflag:$0x2], $0x2800, $0x38;
	[tilespmem:$0x16900] =	vst v63  }
0x37: {  	_ =	swait.ge [sflag:s25], $0x2800  }
0x38: {  	[sflag:s25] =	ssyncset.done $0x0  }
0x39: {  	[sflag:s25] =	ssyncadd.s32 $0xFFFFD800  }
0x3a: {  	[spmem:s8] =	stream.linear.scatter [tilespmem:s24], [sflag:$0x2], $0x2800, $0x38;
	[tilespmem:$0x16900] =	vst v63  }
0x3b: {  	_ =	swait.ge [sflag:s25], $0x2800  }
0x3c: {  	[sflag:s25] =	ssyncset.done $0x0  }
0x3d: {  	[sflag:s25] =	ssyncadd.s32 $0xFFFFD800  }
0x3e: {  	[spmem:s9] =	stream.linear.scatter [tilespmem:s24], [sflag:$0x2], $0x2800, $0x38;
	[tilespmem:$0x16900] =	vst v63  }
0x3f: {  	_ =	swait.ge [sflag:s25], $0x2800  }
0x40: {  	[sflag:s25] =	ssyncset.done $0x0  }
0x41: {  	[sflag:s25] =	ssyncadd.s32 $0xFFFFD800  }
0x42: {  	[spmem:s10] =	stream.linear.scatter [tilespmem:s24], [sflag:$0x2], $0x2800, $0x38;
	[tilespmem:$0x16900] =	vst v63  }
0x43: {  	_ =	swait.ge [sflag:s25], $0x2800  }
0x44: {  	[sflag:s25] =	ssyncset.done $0x0  }
0x45: {  	[sflag:s25] =	ssyncadd.s32 $0xFFFFD800  }
0x46: {  	[spmem:s11] =	stream.linear.scatter [tilespmem:s24], [sflag:$0x2], $0x2800, $0x38;
	[tilespmem:$0x16900] =	vst v63  }
0x47: {  	_ =	swait.ge [sflag:s25], $0x2800  }
0x48: {  	[sflag:s25] =	ssyncset.done $0x0  }
0x49: {  	[sflag:s25] =	ssyncadd.s32 $0xFFFFD800  }
0x4a: {  	[spmem:s12] =	stream.linear.scatter [tilespmem:s24], [sflag:$0x2], $0x2800, $0x38;
	[tilespmem:$0x16900] =	vst v63  }
0x4b: {  	_ =	swait.ge [sflag:s25], $0x2800  }
0x4c: {  	[sflag:s25] =	ssyncset.done $0x0  }
0x4d: {  	[sflag:s25] =	ssyncadd.s32 $0xFFFFD800  }
0x4e: {  	[spmem:s13] =	stream.linear.scatter [tilespmem:s24], [sflag:$0x2], $0x2800, $0x38;
	[tilespmem:$0x16900] =	vst v63  }
0x4f: {  	_ =	swait.ge [sflag:s25], $0x2800  }
0x50: {  	[sflag:s25] =	ssyncset.done $0x0  }
0x51: {  	[sflag:s25] =	ssyncadd.s32 $0xFFFFD800  }
0x52: {  	s1 =	sadd.s32 $0x0, s23;
	[bflag:$0x0] =	sbarrier.arrive $0xFFFF  }
0x53: {  	[tilespmem:s4], [sflag:$0x2] =	stream.linear.gather [hbm4b:s1+s4], $0x50, $0x38;
	[tilespmem:$0x16900] =	vst v63  }
0x54: {  	_ =	swait.ge [sflag:s25], $0x50  }
0x55: {  	[sflag:s25] =	ssyncset.done $0x0  }
0x56: {  	s14 =	sadd.s32 $0x0, s22;
	[sflag:s25] =	ssyncadd.s32 $0xFFFFFFB0  }
0x57: {  	[tilespmem:s26], [sflag:$0x2] =	stream.linear.gather [hbm4b:s14+s4], $0x50, $0x38;
	[tilespmem:$0x16900] =	vst v63  }
0x58: {  	_ =	swait.ge [sflag:s25], $0x50  }
0x59: {  	[sflag:s25] =	ssyncset.done $0x0  }
0x5a: {  	[sflag:s25] =	ssyncadd.s32 $0xFFFFFFB0  }
0x5b: {  	[tilespmem:s24], [sflag:$0x1] =	stream.indirect.gather [hbm4b:s2+s28], $0x80, s4, s28, $0xb8;
	[tilespmem:$0x16900] =	vst v63  }
0x5c: {  	_ =	swait.ge [sflag:s29], $0x2800  }
0x5d: {  	[sflag:s29] =	ssyncset.done $0x0  }
0x5e: {  	[sflag:s29] =	ssyncadd.s32 $0xFFFFD800  }
0x5f: {  	[spmem:s3] =	stream.indirect.scatter.add.f32 [tilespmem:s24], [sflag:$0x2], $0x80, s26, s28, $0xb8;
	[tilespmem:$0x16900] =	vst v63  }
0x60: {  	_ =	swait.ge [sflag:s25], $0x2800  }
0x61: {  	s31 =	simm.s32 $0xA;
	s1 =	simm.s32 $0x14;
	[sflag:s25] =	ssyncset.done $0x0  }
.LBB2_4:
0x62: {  	s0 =	sadd.s32 s31, s23  }
0x63: {  	[sflag:s25] =	ssyncadd.s32 $0xFFFFD800;
	s6 =	smov.u32 s1;
	s14 =	sadd.s32 $0xA, s1  }
0x64: {  	[tilespmem:s4], [sflag:$0x2] =	stream.linear.gather [hbm4b:s0+s4], $0x50, $0x38;
	[tilespmem:$0x16900] =	vst v63  }
0x65: {  	p0 =	sne.s32 s1, $0x4D8;
	_ =	swait.ge [sflag:s25], $0x50  }
0x66: {  	[sflag:s25] =	ssyncset.done $0x0  }
0x67: {  	s0 =	sadd.s32 s31, s22;
	s31 =	smov.u32 s6;
	[sflag:s25] =	ssyncadd.s32 $0xFFFFFFB0  }
0x68: {  	[tilespmem:s26], [sflag:$0x2] =	stream.linear.gather [hbm4b:s0+s4], $0x50, $0x38;
	[tilespmem:$0x16900] =	vst v63  }
0x69: {  	_ =	swait.ge [sflag:s25], $0x50  }
0x6a: {  	[sflag:s25] =	ssyncset.done $0x0  }
0x6b: {  	[sflag:s25] =	ssyncadd.s32 $0xFFFFFFB0  }
0x6c: {  	[tilespmem:s24], [sflag:$0x1] =	stream.indirect.gather [hbm4b:s2+s28], $0x80, s4, s28, $0xb8;
	[tilespmem:$0x16900] =	vst v63  }
0x6d: {  	_ =	swait.ge [sflag:s29], $0x2800  }
.Ltmp1:
0x6e: {  	[sflag:s29] =	ssyncset.done $0x0;
	(pc) =	sbr.rel @p0 .LBB2_4-.Ltmp1, $4  }
0x6f: {  	[sflag:s29] =	ssyncadd.s32 $0xFFFFD800  }
0x70: {  	[spmem:s3] =	stream.indirect.scatter.add.f32 [tilespmem:s24], [sflag:$0x2], $0x80, s26, s28, $0xb8;
	[tilespmem:$0x16900] =	vst v63  }
0x71: {  	_ =	swait.ge [sflag:s25], $0x2800  }
0x72: {  	s1 =	smov.u32 s14;
	[sflag:s25] =	ssyncset.done $0x0  }
0x73: {  	s0 =	sadd.s32 s31, s23;
	[sflag:s25] =	ssyncadd.s32 $0xFFFFD800  }
0x74: {  	[tilespmem:s4], [sflag:$0x2] =	stream.linear.gather [hbm4b:s0+s4], $0x50, $0x38;
	[tilespmem:$0x16900] =	vst v63  }
0x75: {  	_ =	swait.ge [sflag:s25], $0x50  }
0x76: {  	[sflag:s25] =	ssyncset.done $0x0  }
0x77: {  	s6 =	sadd.s32 s31, s22;
	[sflag:s25] =	ssyncadd.s32 $0xFFFFFFB0  }
0x78: {  	[tilespmem:s26], [sflag:$0x2] =	stream.linear.gather [hbm4b:s6+s4], $0x50, $0x38;
	[tilespmem:$0x16900] =	vst v63  }
0x79: {  	_ =	swait.ge [sflag:s25], $0x50  }
0x7a: {  	[sflag:s25] =	ssyncset.done $0x0  }
0x7b: {  	[sflag:s25] =	ssyncadd.s32 $0xFFFFFFB0  }
0x7c: {  	[tilespmem:s24], [sflag:$0x1] =	stream.indirect.gather [hbm4b:s2+s28], $0x80, s4, s28, $0xb8;
	[tilespmem:$0x16900] =	vst v63  }
0x7d: {  	_ =	swait.ge [sflag:s29], $0x2800  }
0x7e: {  	[sflag:s29] =	ssyncset.done $0x0  }
0x7f: {  	[sflag:s29] =	ssyncadd.s32 $0xFFFFD800  }
0x80: {  	[spmem:s3] =	stream.indirect.scatter.add.f32 [tilespmem:s24], [sflag:$0x2], $0x80, s26, s28, $0xb8;
	[tilespmem:$0x16900] =	vst v63  }
0x81: {  	_ =	swait.ge [sflag:s25], $0x2800  }
0x82: {  	[sflag:s25] =	ssyncset.done $0x0  }
0x83: {  	[sflag:s25] =	ssyncadd.s32 $0xFFFFD800  }
0x84: {  	[bflag:$0x0] =	sbarrier.arrive $0xFFFF  }
0x85: {  	[tilespmem:s24], [sflag:$0x2] =	stream.linear.gather [spmem:s5], $0x2800, $0x38;
	[tilespmem:$0x16900] =	vst v63  }
0x86: {  	_ =	swait.ge [sflag:s25], $0x2800  }
0x87: {  	[sflag:s25] =	ssyncset.done $0x0  }
0x88: {  	s14 =	rddreg [dreg:$0x5];
	[sflag:s25] =	ssyncadd.s32 $0xFFFFD800  }
0x89: {  	[hbm4b:s14+s4] =	stream.linear.scatter [tilespmem:s24], [sflag:$0x2], $0x2800, $0x38;
	[tilespmem:$0x16900] =	vst v63  }
0x8a: {  	_ =	swait.ge [sflag:s25], $0x2800  }
0x8b: {  	[sflag:s25] =	ssyncset.done $0x0  }
0x8c: {  	[sflag:s25] =	ssyncadd.s32 $0xFFFFD800  }
0x8d: {  	[tilespmem:s24], [sflag:$0x2] =	stream.linear.gather [spmem:s7], $0x2800, $0x38;
	[tilespmem:$0x16900] =	vst v63  }
0x8e: {  	_ =	swait.ge [sflag:s25], $0x2800  }
0x8f: {  	[sflag:s25] =	ssyncset.done $0x0  }
0x90: {  	[sflag:s25] =	ssyncadd.s32 $0xFFFFD800  }
0x91: {  	[hbm4b:s15+s4] =	stream.linear.scatter [tilespmem:s24], [sflag:$0x2], $0x2800, $0x38;
	[tilespmem:$0x16900] =	vst v63  }
0x92: {  	_ =	swait.ge [sflag:s25], $0x2800  }
0x93: {  	[sflag:s25] =	ssyncset.done $0x0  }
0x94: {  	[sflag:s25] =	ssyncadd.s32 $0xFFFFD800  }
0x95: {  	[tilespmem:s24], [sflag:$0x2] =	stream.linear.gather [spmem:s8], $0x2800, $0x38;
	[tilespmem:$0x16900] =	vst v63  }
0x96: {  	_ =	swait.ge [sflag:s25], $0x2800  }
0x97: {  	[sflag:s25] =	ssyncset.done $0x0  }
0x98: {  	[sflag:s25] =	ssyncadd.s32 $0xFFFFD800  }
0x99: {  	[hbm4b:s16+s4] =	stream.linear.scatter [tilespmem:s24], [sflag:$0x2], $0x2800, $0x38;
	[tilespmem:$0x16900] =	vst v63  }
0x9a: {  	_ =	swait.ge [sflag:s25], $0x2800  }
0x9b: {  	[sflag:s25] =	ssyncset.done $0x0  }
0x9c: {  	[sflag:s25] =	ssyncadd.s32 $0xFFFFD800  }
0x9d: {  	[tilespmem:s24], [sflag:$0x2] =	stream.linear.gather [spmem:s9], $0x2800, $0x38;
	[tilespmem:$0x16900] =	vst v63  }
0x9e: {  	_ =	swait.ge [sflag:s25], $0x2800  }
0x9f: {  	[sflag:s25] =	ssyncset.done $0x0  }
0xa0: {  	[sflag:s25] =	ssyncadd.s32 $0xFFFFD800  }
0xa1: {  	[hbm4b:s17+s4] =	stream.linear.scatter [tilespmem:s24], [sflag:$0x2], $0x2800, $0x38;
	[tilespmem:$0x16900] =	vst v63  }
0xa2: {  	_ =	swait.ge [sflag:s25], $0x2800  }
0xa3: {  	[sflag:s25] =	ssyncset.done $0x0  }
0xa4: {  	[sflag:s25] =	ssyncadd.s32 $0xFFFFD800  }
0xa5: {  	[tilespmem:s24], [sflag:$0x2] =	stream.linear.gather [spmem:s10], $0x2800, $0x38;
	[tilespmem:$0x16900] =	vst v63  }
0xa6: {  	_ =	swait.ge [sflag:s25], $0x2800  }
0xa7: {  	[sflag:s25] =	ssyncset.done $0x0  }
0xa8: {  	[sflag:s25] =	ssyncadd.s32 $0xFFFFD800  }
0xa9: {  	[hbm4b:s18+s4] =	stream.linear.scatter [tilespmem:s24], [sflag:$0x2], $0x2800, $0x38;
	[tilespmem:$0x16900] =	vst v63  }
0xaa: {  	_ =	swait.ge [sflag:s25], $0x2800  }
0xab: {  	[sflag:s25] =	ssyncset.done $0x0  }
0xac: {  	[sflag:s25] =	ssyncadd.s32 $0xFFFFD800  }
0xad: {  	[tilespmem:s24], [sflag:$0x2] =	stream.linear.gather [spmem:s11], $0x2800, $0x38;
	[tilespmem:$0x16900] =	vst v63  }
0xae: {  	_ =	swait.ge [sflag:s25], $0x2800  }
0xaf: {  	[sflag:s25] =	ssyncset.done $0x0  }
0xb0: {  	[sflag:s25] =	ssyncadd.s32 $0xFFFFD800  }
0xb1: {  	[hbm4b:s19+s4] =	stream.linear.scatter [tilespmem:s24], [sflag:$0x2], $0x2800, $0x38;
	[tilespmem:$0x16900] =	vst v63  }
0xb2: {  	_ =	swait.ge [sflag:s25], $0x2800  }
0xb3: {  	[sflag:s25] =	ssyncset.done $0x0  }
0xb4: {  	[sflag:s25] =	ssyncadd.s32 $0xFFFFD800  }
0xb5: {  	[tilespmem:s24], [sflag:$0x2] =	stream.linear.gather [spmem:s12], $0x2800, $0x38;
	[tilespmem:$0x16900] =	vst v63  }
0xb6: {  	_ =	swait.ge [sflag:s25], $0x2800  }
0xb7: {  	[sflag:s25] =	ssyncset.done $0x0  }
0xb8: {  	[sflag:s25] =	ssyncadd.s32 $0xFFFFD800  }
0xb9: {  	[hbm4b:s20+s4] =	stream.linear.scatter [tilespmem:s24], [sflag:$0x2], $0x2800, $0x38;
	[tilespmem:$0x16900] =	vst v63  }
0xba: {  	_ =	swait.ge [sflag:s25], $0x2800  }
0xbb: {  	[sflag:s25] =	ssyncset.done $0x0  }
0xbc: {  	[sflag:s25] =	ssyncadd.s32 $0xFFFFD800  }
0xbd: {  	[tilespmem:s24], [sflag:$0x2] =	stream.linear.gather [spmem:s13], $0x2800, $0x38;
	[tilespmem:$0x16900] =	vst v63  }
0xbe: {  	_ =	swait.ge [sflag:s25], $0x2800  }
0xbf: {  	[sflag:s25] =	ssyncset.done $0x0  }
0xc0: {  	[sflag:s25] =	ssyncadd.s32 $0xFFFFD800  }
0xc1: {  	[hbm4b:s21+s4] =	stream.linear.scatter [tilespmem:s24], [sflag:$0x2], $0x2800, $0x38;
	[tilespmem:$0x16900] =	vst v63  }
0xc2: {  	_ =	swait.ge [sflag:s25], $0x2800  }
0xc3: {  	s30 =	sadd.s32 $0x1, s30;
	s31 =	rddreg [dreg:$0x4]  }
0xc4: {  	p0 =	sne.s32 s30, s31  }
.Ltmp2:
0xc5: {  	_ = 	snop;
	(pc) =	sbr.rel @p0 .LBB2_1-.Ltmp2, $3  }
0xc6: {  	_ =	sdelay $0x1  }
0xc7: {  	[sflag:s25] =	ssyncset.done $0x0  }
0xc8: {  	[sflag:s25] =	ssyncadd.s32 $0xFFFFD800  }
0xc9: {  	_ =	sfence.sel $0x180000  }
0xca: {  	[bflag:$0x0] =	sbarrier.arrive $0xFFFF  }
0xcb: {  	_ =	strace $0x9000004A  }
0xcc: {  	s0 =	stileid.u32;
	[bflag:$0x2] =	sbarrier.arrive $0xFFFF  }
0xcd: {  	p0 =	sne.s32 s0, $0x0;
	s0 =	rddreg [dreg:$0x3]  }
0xce: {  	s0 =	sadd.s32 @!p0 $0x100000, s0  }
0xcf: {  	[sflag:s0] =	ssyncadd.tile.s32 @!p0 $0x1;
	_ =	shalt  }
.Lfunc_end2:
_tile_overlayer_lowered:
.L_overlay_start_2:
0xd0: {  	(tag) =	ssettag $0x2  }
0xd1: {  	s0 =	rddreg [dreg:$0x0];
	s2 =	stileid.u32  }
0xd2: {  	s1 =	rddreg [dreg:$0x1];
	p0 =	sne.s32 s2, $0x0  }
0xd3: {  	s3 =	rddreg [dreg:$0x2];
	[bflag:$0x3] =	sbarrier.arrive $0xFFFF;
	s2 =	simm.s32 @!p0 $0x1C02  }
0xd4: {  	[timem:s3], [sflag:s2] =	dma.local @!p0 [hbm:s0], s1  }
0xd5: {  	s0 =	simm.s32 @!p0 $0x2  }
0xd6: {  	_ =	swait.ge @!p0 [sflag:s0], s1  }
0xd7: {  	s1 =	ssub.s32 @!p0 $0x0, s1;
	[sflag:s0] =	ssyncset.done @!p0 $0x0  }
0xd8: {  	[sflag:s0] =	ssyncadd.s32 @!p0 s1  }
0xd9: {  	[bflag:$0x3] =	sbarrier.arrive $0xFFFF  }
0xda: {  	_ =	shalt  }

</sc_bundles>
